<compile_context>
chip_gen: v7x
topology: tpu7x:2x2x1
jax: 0.10.2.dev20260603
libtpu: 0.0.44.dev20260713+nightly
codegen_flags: <defaults>
</compile_context>

<pallas_src>
import functools

import jax
import jax.numpy as jnp
from jax import lax
from jax.experimental import pallas as pl
from jax.experimental.pallas import tpu as pltpu
from jax.experimental.pallas import tpu_sc as plsc

B = 16384
K = 64
NC = 2
NS = 16
NW = NC * NS
BPW = B // NW
NG = BPW // 16
EPS = 1e-6


def _sqrt16(x):
    i = plsc.bitcast(x, jnp.int32)
    i = jnp.int32(0x5F3759DF) - lax.shift_right_arithmetic(i, 1)
    y = plsc.bitcast(i, jnp.float32)
    xh = x * 0.5
    for _ in range(3):
        y = y * (1.5 - xh * y * y)
    return x * y


def _cris_body(user_hbm, item_hbm, ebd_u_hbm, ebd_i_hbm, proto_hbm,
               c_out, i_out,
               idx_u, idx_i, bu, bi, proto_v, c_v, i_v, sem_u, sem_i):
    cid = lax.axis_index("c")
    sid = lax.axis_index("s")
    wid = sid * NC + cid
    base = wid * BPW

    for ch in range(4):
        pltpu.sync_copy(user_hbm.at[wid * 4 + ch],
                        idx_u.at[pl.ds(ch * 128, 128)])
        pltpu.sync_copy(item_hbm.at[wid * 4 + ch],
                        idx_i.at[pl.ds(ch * 128, 128)])
    pltpu.sync_copy(proto_hbm, proto_v)

    lane = lax.broadcasted_iota(jnp.int32, (16,), 0)

    for j in range(2 * K // 16):
        proto_v[pl.ds(j * 16, 16)] = proto_v[pl.ds(j * 16, 16)] + EPS

    def fetch(g, buf):
        iv_u = idx_u[pl.ds(g * 16, 16)]
        iv_i = idx_i[pl.ds(g * 16, 16)]
        for l in range(16):
            pltpu.async_copy(ebd_u_hbm.at[pl.ds(iv_u[l], 1)],
                             bu.at[pl.ds(buf * 16 + l, 1)], sem_u)
            pltpu.async_copy(ebd_i_hbm.at[pl.ds(iv_i[l], 1)],
                             bi.at[pl.ds(buf * 16 + l, 1)], sem_i)

    def drain(buf):
        pltpu.make_async_copy(
            ebd_u_hbm.at[pl.ds(0, 16)], bu.at[pl.ds(buf * 16, 16)], sem_u).wait()
        pltpu.make_async_copy(
            ebd_i_hbm.at[pl.ds(0, 16)], bi.at[pl.ds(buf * 16, 16)], sem_i).wait()

    def compute(g, buf):
        def k_body(k, carry):
            s0, s1 = carry
            kvec = jnp.full((16,), k, dtype=jnp.int32)
            rvec = buf * 16 + lane
            iu = plsc.load_gather(bu, [rvec, kvec])
            ii = plsc.load_gather(bi, [rvec, kvec])
            q0 = plsc.load_gather(proto_v, [kvec])
            q1 = plsc.load_gather(proto_v, [kvec + K])
            ui = iu + ii
            t0 = q0 - ui
            t1 = q1 - ui
            return (s0 + t0 * t0, s1 + t1 * t1)

        z = jnp.zeros((16,), jnp.float32)
        s0, s1 = lax.fori_loop(0, K, k_body, (z, z))
        row0 = g * 16
        c_v[pl.ds(row0, 16)] = _sqrt16(s0)
        i_v[pl.ds(row0, 16)] = _sqrt16(s1)

    fetch(0, 0)

    def group_body(g, _):
        buf = lax.rem(g, 2)
        nbuf = lax.rem(g + 1, 2)

        @pl.when(g + 1 < NG)
        def _():
            fetch(g + 1, nbuf)

        drain(buf)
        compute(g, buf)
        return 0

    lax.fori_loop(0, NG, group_body, 0)

    pltpu.sync_copy(c_v, c_out.at[pl.ds(base, BPW)])
    pltpu.sync_copy(i_v, i_out.at[pl.ds(base, BPW)])


_cris = functools.partial(
    pl.kernel,
    mesh=plsc.VectorSubcoreMesh(core_axis_name="c", subcore_axis_name="s"),
    compiler_params=pltpu.CompilerParams(needs_layout_passes=False),
    out_type=[
        jax.ShapeDtypeStruct((B,), jnp.float32),
        jax.ShapeDtypeStruct((B,), jnp.float32),
    ],
    scratch_types=[
        pltpu.VMEM((BPW,), jnp.int32),
        pltpu.VMEM((BPW,), jnp.int32),
        pltpu.VMEM((2 * 16, K), jnp.float32),
        pltpu.VMEM((2 * 16, K), jnp.float32),
        pltpu.VMEM((2 * K,), jnp.float32),
        pltpu.VMEM((BPW,), jnp.float32),
        pltpu.VMEM((BPW,), jnp.float32),
        pltpu.SemaphoreType.DMA,
        pltpu.SemaphoreType.DMA,
    ],
)(_cris_body)


@jax.jit
def kernel(user, item, ebd_user, ebd_item, ebd_prototype):
    user2d = user.astype(jnp.int32).reshape(NW * 4, 128)
    item2d = item.astype(jnp.int32).reshape(NW * 4, 128)
    proto_flat = ebd_prototype.reshape(2 * K)
    c_dist, i_dist = _cris(user2d, item2d, ebd_user, ebd_item, proto_flat)
    return c_dist, i_dist

# --- scband reference (transcript-rebuilt; emitter-appended) ---
"""Pipeline reference for scband-cris-20040317403712 (READ-ONLY COPY).

The authoritative reference and input builder live on the scoring server;
editing this copy changes nothing except your own understanding.
"""

import jax, jax.numpy as jnp
import numpy as np

NUM_USER = 1000000
NUM_ITEM = 1000000
K = 64
BATCH = 16384

def _xavier_normal(key, shape):
    fan_in, fan_out = shape[1], shape[0]
    std = float(np.sqrt(2.0 / (fan_in + fan_out)))
    return jax.random.normal(key, shape, dtype=jnp.float32) * std

def setup_inputs(seed: int = 0) -> dict:
    key = jax.random.key(seed)
    k1, k2, k3, k4, k5 = jax.random.split(key, 5)
    user = jax.random.randint(k1, (BATCH,), 0, NUM_USER, dtype=jnp.int64) if jax.config.jax_enable_x64 else jax.random.randint(k1, (BATCH,), 0, NUM_USER).astype(jnp.int32)
    item = jax.random.randint(k2, (BATCH,), 0, NUM_ITEM).astype(user.dtype)
    ebd_user = _xavier_normal(k3, (NUM_USER + 1, K))
    ebd_item = _xavier_normal(k4, (NUM_ITEM + 1, K))
    ebd_prototype = _xavier_normal(k5, (2, K))
    return {"user": user, "item": item, "ebd_user": ebd_user, "ebd_item": ebd_item, "ebd_prototype": ebd_prototype}

def reference(user, item, ebd_user, ebd_item, ebd_prototype):
    # prototype lookups (indices 0 and 1), shape [1, K]
    consumption = jnp.take(ebd_prototype, jnp.array([0]), axis=0)
    interest = jnp.take(ebd_prototype, jnp.array([1]), axis=0)
    embedded_user = jnp.take(ebd_user, user, axis=0)
    embedded_item = jnp.take(ebd_item, item, axis=0)
    ui_feature = embedded_user + embedded_item
    # F.pairwise_distance(x1, x2, p=2): ||x1 - x2 + eps||_2 along last dim, eps=1e-6
    eps = 1e-6
    c_dist = jnp.sqrt(jnp.sum((consumption - ui_feature + eps) ** 2, axis=-1))
    i_dist = jnp.sqrt(jnp.sum((interest - ui_feature + eps) ** 2, axis=-1))
    return (c_dist, i_dist)

if __name__ == "__main__":
    import jax
    _d = setup_inputs()
    print(jax.jit(kernel)(*tuple(_d.values())))

</pallas_src>

<mosaic_0001>
#map = affine_map<(d0, d1) -> (0, 0)>
#map1 = affine_map<(d0, d1) -> (0)>
module attributes {stable_mosaic.version = 14 : i64} {
  func.func @_cris_body(%arg0: i32, %arg1: i32, %arg2: memref<128x128xi32, #tpu.memory_space<hbm>>, %arg3: memref<128x128xi32, #tpu.memory_space<hbm>>, %arg4: memref<1000001x64xf32, #tpu.memory_space<hbm>>, %arg5: memref<1000001x64xf32, #tpu.memory_space<hbm>>, %arg6: memref<128xf32, #tpu.memory_space<hbm>>, %arg7: memref<16384xf32, #tpu.memory_space<hbm>>, %arg8: memref<16384xf32, #tpu.memory_space<hbm>>, %arg9: memref<512xi32, #tpu.memory_space<vmem>>, %arg10: memref<512xi32, #tpu.memory_space<vmem>>, %arg11: memref<32x64xf32, #tpu.memory_space<vmem>>, %arg12: memref<32x64xf32, #tpu.memory_space<vmem>>, %arg13: memref<128xf32, #tpu.memory_space<vmem>>, %arg14: memref<512xf32, #tpu.memory_space<vmem>>, %arg15: memref<512xf32, #tpu.memory_space<vmem>>, %arg16: memref<!tpu.dma_semaphore, #tpu.memory_space<semaphore_mem>>, %arg17: memref<!tpu.dma_semaphore, #tpu.memory_space<semaphore_mem>>) attributes {dimension_semantics = [#tpu.dimension_semantics<core_parallel>, #tpu.dimension_semantics<subcore_parallel>], iteration_bounds = array<i64: 2, 16>, scalar_prefetch = 0 : i64, scratch_operands = 9 : i64, tpu.core_type = #tpu.core_type<sc_vector_subcore>, window_params = [{transform_indices = #map}, {transform_indices = #map}, {transform_indices = #map}, {transform_indices = #map}, {transform_indices = #map1}, {transform_indices = #map1}, {transform_indices = #map1}]} {
    %mul3A = arith.constant 2 : i32
    %mul3A_0 = arith.muli %arg1, %mul3A : i32
    %add3A = arith.addi %mul3A_0, %arg0 : i32
    %mul3A_1 = arith.constant 512 : i32
    %mul3A_2 = arith.muli %add3A, %mul3A_1 : i32
    %mul3A_3 = arith.constant 4 : i32
    %mul3A_4 = arith.muli %add3A, %mul3A_3 : i32
    %add3A_5 = arith.constant 0 : i32
    %add3A_6 = arith.addi %mul3A_4, %add3A_5 : i32
    "tpu.region"() ({
      %run_scoped3A = tpu.sem_alloc : memref<!tpu.dma_semaphore, #tpu.memory_space<semaphore_mem>>
      %dma_start3A_480 = arith.constant 0 : i32
      %dma_start3A_481 = tpu.memref_slice %arg9[%dma_start3A_480] : memref<512xi32, #tpu.memory_space<vmem>> -> memref<128xi32, #tpu.memory_space<vmem>>
      %dma_start3A_482 = arith.constant 0 : i32
      %dma_start3A_483 = tpu.memref_slice %arg2[%add3A_6, %dma_start3A_482] : memref<128x128xi32, #tpu.memory_space<hbm>> -> memref<1x128xi32, #tpu.memory_space<hbm>>
      %dma_start3A_484 = tpu.memref_squeeze %dma_start3A_483 : memref<1x128xi32, #tpu.memory_space<hbm>> -> memref<128xi32, #tpu.memory_space<hbm>>
      %dma_start3A_485 = arith.constant 0 : i32
      %dma_start3A_486 = tpu.memref_slice %arg9[%dma_start3A_485] : memref<512xi32, #tpu.memory_space<vmem>> -> memref<128xi32, #tpu.memory_space<vmem>>
      %dma_start3A_487 = arith.constant 0 : i32
      %dma_start3A_488 = tpu.memref_slice %arg2[%add3A_6, %dma_start3A_487] : memref<128x128xi32, #tpu.memory_space<hbm>> -> memref<1x128xi32, #tpu.memory_space<hbm>>
      %dma_start3A_489 = tpu.memref_squeeze %dma_start3A_488 : memref<1x128xi32, #tpu.memory_space<hbm>> -> memref<128xi32, #tpu.memory_space<hbm>>
      tpu.enqueue_dma source(%dma_start3A_489 : memref<128xi32, #tpu.memory_space<hbm>>) target(%dma_start3A_486 : memref<128xi32, #tpu.memory_space<vmem>>) target_semaphore(%run_scoped3A : memref<!tpu.dma_semaphore, #tpu.memory_space<semaphore_mem>>)
      %dma_wait3A = arith.constant 0 : i32
      %dma_wait3A_490 = tpu.memref_slice %arg9[%dma_wait3A] : memref<512xi32, #tpu.memory_space<vmem>> -> memref<128xi32, #tpu.memory_space<vmem>>
      %dma_wait3A_491 = arith.constant 0 : i32
      %dma_wait3A_492 = tpu.memref_slice %arg2[%add3A_6, %dma_wait3A_491] : memref<128x128xi32, #tpu.memory_space<hbm>> -> memref<1x128xi32, #tpu.memory_space<hbm>>
      %dma_wait3A_493 = tpu.memref_squeeze %dma_wait3A_492 : memref<1x128xi32, #tpu.memory_space<hbm>> -> memref<128xi32, #tpu.memory_space<hbm>>
      %dma_wait3A_494 = arith.constant 0 : i32
      %dma_wait3A_495 = tpu.memref_slice %arg9[%dma_wait3A_494] : memref<512xi32, #tpu.memory_space<vmem>> -> memref<128xi32, #tpu.memory_space<vmem>>
      %dma_wait3A_496 = arith.constant 0 : i32
      %dma_wait3A_497 = tpu.memref_slice %arg2[%add3A_6, %dma_wait3A_496] : memref<128x128xi32, #tpu.memory_space<hbm>> -> memref<1x128xi32, #tpu.memory_space<hbm>>
      %dma_wait3A_498 = tpu.memref_squeeze %dma_wait3A_497 : memref<1x128xi32, #tpu.memory_space<hbm>> -> memref<128xi32, #tpu.memory_space<hbm>>
      tpu.wait_dma2 semaphore(%run_scoped3A : memref<!tpu.dma_semaphore, #tpu.memory_space<semaphore_mem>>) src(%dma_wait3A_498 : memref<128xi32, #tpu.memory_space<hbm>>) dst(%dma_wait3A_495 : memref<128xi32, #tpu.memory_space<vmem>>)
      tpu.yield
    }) : () -> ()
    %mul3A_7 = arith.constant 4 : i32
    %mul3A_8 = arith.muli %add3A, %mul3A_7 : i32
    %add3A_9 = arith.constant 0 : i32
    %add3A_10 = arith.addi %mul3A_8, %add3A_9 : i32
    "tpu.region"() ({
      %run_scoped3A = tpu.sem_alloc : memref<!tpu.dma_semaphore, #tpu.memory_space<semaphore_mem>>
      %dma_start3A_480 = arith.constant 0 : i32
      %dma_start3A_481 = tpu.memref_slice %arg10[%dma_start3A_480] : memref<512xi32, #tpu.memory_space<vmem>> -> memref<128xi32, #tpu.memory_space<vmem>>
      %dma_start3A_482 = arith.constant 0 : i32
      %dma_start3A_483 = tpu.memref_slice %arg3[%add3A_10, %dma_start3A_482] : memref<128x128xi32, #tpu.memory_space<hbm>> -> memref<1x128xi32, #tpu.memory_space<hbm>>
      %dma_start3A_484 = tpu.memref_squeeze %dma_start3A_483 : memref<1x128xi32, #tpu.memory_space<hbm>> -> memref<128xi32, #tpu.memory_space<hbm>>
      %dma_start3A_485 = arith.constant 0 : i32
      %dma_start3A_486 = tpu.memref_slice %arg10[%dma_start3A_485] : memref<512xi32, #tpu.memory_space<vmem>> -> memref<128xi32, #tpu.memory_space<vmem>>
      %dma_start3A_487 = arith.constant 0 : i32
      %dma_start3A_488 = tpu.memref_slice %arg3[%add3A_10, %dma_start3A_487] : memref<128x128xi32, #tpu.memory_space<hbm>> -> memref<1x128xi32, #tpu.memory_space<hbm>>
      %dma_start3A_489 = tpu.memref_squeeze %dma_start3A_488 : memref<1x128xi32, #tpu.memory_space<hbm>> -> memref<128xi32, #tpu.memory_space<hbm>>
      tpu.enqueue_dma source(%dma_start3A_489 : memref<128xi32, #tpu.memory_space<hbm>>) target(%dma_start3A_486 : memref<128xi32, #tpu.memory_space<vmem>>) target_semaphore(%run_scoped3A : memref<!tpu.dma_semaphore, #tpu.memory_space<semaphore_mem>>)
      %dma_wait3A = arith.constant 0 : i32
      %dma_wait3A_490 = tpu.memref_slice %arg10[%dma_wait3A] : memref<512xi32, #tpu.memory_space<vmem>> -> memref<128xi32, #tpu.memory_space<vmem>>
      %dma_wait3A_491 = arith.constant 0 : i32
      %dma_wait3A_492 = tpu.memref_slice %arg3[%add3A_10, %dma_wait3A_491] : memref<128x128xi32, #tpu.memory_space<hbm>> -> memref<1x128xi32, #tpu.memory_space<hbm>>
      %dma_wait3A_493 = tpu.memref_squeeze %dma_wait3A_492 : memref<1x128xi32, #tpu.memory_space<hbm>> -> memref<128xi32, #tpu.memory_space<hbm>>
      %dma_wait3A_494 = arith.constant 0 : i32
      %dma_wait3A_495 = tpu.memref_slice %arg10[%dma_wait3A_494] : memref<512xi32, #tpu.memory_space<vmem>> -> memref<128xi32, #tpu.memory_space<vmem>>
      %dma_wait3A_496 = arith.constant 0 : i32
      %dma_wait3A_497 = tpu.memref_slice %arg3[%add3A_10, %dma_wait3A_496] : memref<128x128xi32, #tpu.memory_space<hbm>> -> memref<1x128xi32, #tpu.memory_space<hbm>>
      %dma_wait3A_498 = tpu.memref_squeeze %dma_wait3A_497 : memref<1x128xi32, #tpu.memory_space<hbm>> -> memref<128xi32, #tpu.memory_space<hbm>>
      tpu.wait_dma2 semaphore(%run_scoped3A : memref<!tpu.dma_semaphore, #tpu.memory_space<semaphore_mem>>) src(%dma_wait3A_498 : memref<128xi32, #tpu.memory_space<hbm>>) dst(%dma_wait3A_495 : memref<128xi32, #tpu.memory_space<vmem>>)
      tpu.yield
    }) : () -> ()
    %mul3A_11 = arith.constant 4 : i32
    %mul3A_12 = arith.muli %add3A, %mul3A_11 : i32
    %add3A_13 = arith.constant 1 : i32
    %add3A_14 = arith.addi %mul3A_12, %add3A_13 : i32
    "tpu.region"() ({
      %run_scoped3A = tpu.sem_alloc : memref<!tpu.dma_semaphore, #tpu.memory_space<semaphore_mem>>
      %dma_start3A_480 = arith.constant 128 : i32
      %dma_start3A_481 = tpu.memref_slice %arg9[%dma_start3A_480] : memref<512xi32, #tpu.memory_space<vmem>> -> memref<128xi32, #tpu.memory_space<vmem>>
      %dma_start3A_482 = arith.constant 0 : i32
      %dma_start3A_483 = tpu.memref_slice %arg2[%add3A_14, %dma_start3A_482] : memref<128x128xi32, #tpu.memory_space<hbm>> -> memref<1x128xi32, #tpu.memory_space<hbm>>
      %dma_start3A_484 = tpu.memref_squeeze %dma_start3A_483 : memref<1x128xi32, #tpu.memory_space<hbm>> -> memref<128xi32, #tpu.memory_space<hbm>>
      %dma_start3A_485 = arith.constant 128 : i32
      %dma_start3A_486 = tpu.memref_slice %arg9[%dma_start3A_485] : memref<512xi32, #tpu.memory_space<vmem>> -> memref<128xi32, #tpu.memory_space<vmem>>
      %dma_start3A_487 = arith.constant 0 : i32
      %dma_start3A_488 = tpu.memref_slice %arg2[%add3A_14, %dma_start3A_487] : memref<128x128xi32, #tpu.memory_space<hbm>> -> memref<1x128xi32, #tpu.memory_space<hbm>>
      %dma_start3A_489 = tpu.memref_squeeze %dma_start3A_488 : memref<1x128xi32, #tpu.memory_space<hbm>> -> memref<128xi32, #tpu.memory_space<hbm>>
      tpu.enqueue_dma source(%dma_start3A_489 : memref<128xi32, #tpu.memory_space<hbm>>) target(%dma_start3A_486 : memref<128xi32, #tpu.memory_space<vmem>>) target_semaphore(%run_scoped3A : memref<!tpu.dma_semaphore, #tpu.memory_space<semaphore_mem>>)
      %dma_wait3A = arith.constant 128 : i32
      %dma_wait3A_490 = tpu.memref_slice %arg9[%dma_wait3A] : memref<512xi32, #tpu.memory_space<vmem>> -> memref<128xi32, #tpu.memory_space<vmem>>
      %dma_wait3A_491 = arith.constant 0 : i32
      %dma_wait3A_492 = tpu.memref_slice %arg2[%add3A_14, %dma_wait3A_491] : memref<128x128xi32, #tpu.memory_space<hbm>> -> memref<1x128xi32, #tpu.memory_space<hbm>>
      %dma_wait3A_493 = tpu.memref_squeeze %dma_wait3A_492 : memref<1x128xi32, #tpu.memory_space<hbm>> -> memref<128xi32, #tpu.memory_space<hbm>>
      %dma_wait3A_494 = arith.constant 128 : i32
      %dma_wait3A_495 = tpu.memref_slice %arg9[%dma_wait3A_494] : memref<512xi32, #tpu.memory_space<vmem>> -> memref<128xi32, #tpu.memory_space<vmem>>
      %dma_wait3A_496 = arith.constant 0 : i32
      %dma_wait3A_497 = tpu.memref_slice %arg2[%add3A_14, %dma_wait3A_496] : memref<128x128xi32, #tpu.memory_space<hbm>> -> memref<1x128xi32, #tpu.memory_space<hbm>>
      %dma_wait3A_498 = tpu.memref_squeeze %dma_wait3A_497 : memref<1x128xi32, #tpu.memory_space<hbm>> -> memref<128xi32, #tpu.memory_space<hbm>>
      tpu.wait_dma2 semaphore(%run_scoped3A : memref<!tpu.dma_semaphore, #tpu.memory_space<semaphore_mem>>) src(%dma_wait3A_498 : memref<128xi32, #tpu.memory_space<hbm>>) dst(%dma_wait3A_495 : memref<128xi32, #tpu.memory_space<vmem>>)
      tpu.yield
    }) : () -> ()
    %mul3A_15 = arith.constant 4 : i32
    %mul3A_16 = arith.muli %add3A, %mul3A_15 : i32
    %add3A_17 = arith.constant 1 : i32
    %add3A_18 = arith.addi %mul3A_16, %add3A_17 : i32
    "tpu.region"() ({
      %run_scoped3A = tpu.sem_alloc : memref<!tpu.dma_semaphore, #tpu.memory_space<semaphore_mem>>
      %dma_start3A_480 = arith.constant 128 : i32
      %dma_start3A_481 = tpu.memref_slice %arg10[%dma_start3A_480] : memref<512xi32, #tpu.memory_space<vmem>> -> memref<128xi32, #tpu.memory_space<vmem>>
      %dma_start3A_482 = arith.constant 0 : i32
      %dma_start3A_483 = tpu.memref_slice %arg3[%add3A_18, %dma_start3A_482] : memref<128x128xi32, #tpu.memory_space<hbm>> -> memref<1x128xi32, #tpu.memory_space<hbm>>
      %dma_start3A_484 = tpu.memref_squeeze %dma_start3A_483 : memref<1x128xi32, #tpu.memory_space<hbm>> -> memref<128xi32, #tpu.memory_space<hbm>>
      %dma_start3A_485 = arith.constant 128 : i32
      %dma_start3A_486 = tpu.memref_slice %arg10[%dma_start3A_485] : memref<512xi32, #tpu.memory_space<vmem>> -> memref<128xi32, #tpu.memory_space<vmem>>
      %dma_start3A_487 = arith.constant 0 : i32
      %dma_start3A_488 = tpu.memref_slice %arg3[%add3A_18, %dma_start3A_487] : memref<128x128xi32, #tpu.memory_space<hbm>> -> memref<1x128xi32, #tpu.memory_space<hbm>>
      %dma_start3A_489 = tpu.memref_squeeze %dma_start3A_488 : memref<1x128xi32, #tpu.memory_space<hbm>> -> memref<128xi32, #tpu.memory_space<hbm>>
      tpu.enqueue_dma source(%dma_start3A_489 : memref<128xi32, #tpu.memory_space<hbm>>) target(%dma_start3A_486 : memref<128xi32, #tpu.memory_space<vmem>>) target_semaphore(%run_scoped3A : memref<!tpu.dma_semaphore, #tpu.memory_space<semaphore_mem>>)
      %dma_wait3A = arith.constant 128 : i32
      %dma_wait3A_490 = tpu.memref_slice %arg10[%dma_wait3A] : memref<512xi32, #tpu.memory_space<vmem>> -> memref<128xi32, #tpu.memory_space<vmem>>
      %dma_wait3A_491 = arith.constant 0 : i32
      %dma_wait3A_492 = tpu.memref_slice %arg3[%add3A_18, %dma_wait3A_491] : memref<128x128xi32, #tpu.memory_space<hbm>> -> memref<1x128xi32, #tpu.memory_space<hbm>>
      %dma_wait3A_493 = tpu.memref_squeeze %dma_wait3A_492 : memref<1x128xi32, #tpu.memory_space<hbm>> -> memref<128xi32, #tpu.memory_space<hbm>>
      %dma_wait3A_494 = arith.constant 128 : i32
      %dma_wait3A_495 = tpu.memref_slice %arg10[%dma_wait3A_494] : memref<512xi32, #tpu.memory_space<vmem>> -> memref<128xi32, #tpu.memory_space<vmem>>
      %dma_wait3A_496 = arith.constant 0 : i32
      %dma_wait3A_497 = tpu.memref_slice %arg3[%add3A_18, %dma_wait3A_496] : memref<128x128xi32, #tpu.memory_space<hbm>> -> memref<1x128xi32, #tpu.memory_space<hbm>>
      %dma_wait3A_498 = tpu.memref_squeeze %dma_wait3A_497 : memref<1x128xi32, #tpu.memory_space<hbm>> -> memref<128xi32, #tpu.memory_space<hbm>>
      tpu.wait_dma2 semaphore(%run_scoped3A : memref<!tpu.dma_semaphore, #tpu.memory_space<semaphore_mem>>) src(%dma_wait3A_498 : memref<128xi32, #tpu.memory_space<hbm>>) dst(%dma_wait3A_495 : memref<128xi32, #tpu.memory_space<vmem>>)
      tpu.yield
    }) : () -> ()
    %mul3A_19 = arith.constant 4 : i32
    %mul3A_20 = arith.muli %add3A, %mul3A_19 : i32
    %add3A_21 = arith.constant 2 : i32
    %add3A_22 = arith.addi %mul3A_20, %add3A_21 : i32
    "tpu.region"() ({
      %run_scoped3A = tpu.sem_alloc : memref<!tpu.dma_semaphore, #tpu.memory_space<semaphore_mem>>
      %dma_start3A_480 = arith.constant 256 : i32
      %dma_start3A_481 = tpu.memref_slice %arg9[%dma_start3A_480] : memref<512xi32, #tpu.memory_space<vmem>> -> memref<128xi32, #tpu.memory_space<vmem>>
      %dma_start3A_482 = arith.constant 0 : i32
      %dma_start3A_483 = tpu.memref_slice %arg2[%add3A_22, %dma_start3A_482] : memref<128x128xi32, #tpu.memory_space<hbm>> -> memref<1x128xi32, #tpu.memory_space<hbm>>
      %dma_start3A_484 = tpu.memref_squeeze %dma_start3A_483 : memref<1x128xi32, #tpu.memory_space<hbm>> -> memref<128xi32, #tpu.memory_space<hbm>>
      %dma_start3A_485 = arith.constant 256 : i32
      %dma_start3A_486 = tpu.memref_slice %arg9[%dma_start3A_485] : memref<512xi32, #tpu.memory_space<vmem>> -> memref<128xi32, #tpu.memory_space<vmem>>
      %dma_start3A_487 = arith.constant 0 : i32
      %dma_start3A_488 = tpu.memref_slice %arg2[%add3A_22, %dma_start3A_487] : memref<128x128xi32, #tpu.memory_space<hbm>> -> memref<1x128xi32, #tpu.memory_space<hbm>>
      %dma_start3A_489 = tpu.memref_squeeze %dma_start3A_488 : memref<1x128xi32, #tpu.memory_space<hbm>> -> memref<128xi32, #tpu.memory_space<hbm>>
      tpu.enqueue_dma source(%dma_start3A_489 : memref<128xi32, #tpu.memory_space<hbm>>) target(%dma_start3A_486 : memref<128xi32, #tpu.memory_space<vmem>>) target_semaphore(%run_scoped3A : memref<!tpu.dma_semaphore, #tpu.memory_space<semaphore_mem>>)
      %dma_wait3A = arith.constant 256 : i32
      %dma_wait3A_490 = tpu.memref_slice %arg9[%dma_wait3A] : memref<512xi32, #tpu.memory_space<vmem>> -> memref<128xi32, #tpu.memory_space<vmem>>
      %dma_wait3A_491 = arith.constant 0 : i32
      %dma_wait3A_492 = tpu.memref_slice %arg2[%add3A_22, %dma_wait3A_491] : memref<128x128xi32, #tpu.memory_space<hbm>> -> memref<1x128xi32, #tpu.memory_space<hbm>>
      %dma_wait3A_493 = tpu.memref_squeeze %dma_wait3A_492 : memref<1x128xi32, #tpu.memory_space<hbm>> -> memref<128xi32, #tpu.memory_space<hbm>>
      %dma_wait3A_494 = arith.constant 256 : i32
      %dma_wait3A_495 = tpu.memref_slice %arg9[%dma_wait3A_494] : memref<512xi32, #tpu.memory_space<vmem>> -> memref<128xi32, #tpu.memory_space<vmem>>
      %dma_wait3A_496 = arith.constant 0 : i32
      %dma_wait3A_497 = tpu.memref_slice %arg2[%add3A_22, %dma_wait3A_496] : memref<128x128xi32, #tpu.memory_space<hbm>> -> memref<1x128xi32, #tpu.memory_space<hbm>>
      %dma_wait3A_498 = tpu.memref_squeeze %dma_wait3A_497 : memref<1x128xi32, #tpu.memory_space<hbm>> -> memref<128xi32, #tpu.memory_space<hbm>>
      tpu.wait_dma2 semaphore(%run_scoped3A : memref<!tpu.dma_semaphore, #tpu.memory_space<semaphore_mem>>) src(%dma_wait3A_498 : memref<128xi32, #tpu.memory_space<hbm>>) dst(%dma_wait3A_495 : memref<128xi32, #tpu.memory_space<vmem>>)
      tpu.yield
    }) : () -> ()
    %mul3A_23 = arith.constant 4 : i32
    %mul3A_24 = arith.muli %add3A, %mul3A_23 : i32
    %add3A_25 = arith.constant 2 : i32
    %add3A_26 = arith.addi %mul3A_24, %add3A_25 : i32
    "tpu.region"() ({
      %run_scoped3A = tpu.sem_alloc : memref<!tpu.dma_semaphore, #tpu.memory_space<semaphore_mem>>
      %dma_start3A_480 = arith.constant 256 : i32
      %dma_start3A_481 = tpu.memref_slice %arg10[%dma_start3A_480] : memref<512xi32, #tpu.memory_space<vmem>> -> memref<128xi32, #tpu.memory_space<vmem>>
      %dma_start3A_482 = arith.constant 0 : i32
      %dma_start3A_483 = tpu.memref_slice %arg3[%add3A_26, %dma_start3A_482] : memref<128x128xi32, #tpu.memory_space<hbm>> -> memref<1x128xi32, #tpu.memory_space<hbm>>
      %dma_start3A_484 = tpu.memref_squeeze %dma_start3A_483 : memref<1x128xi32, #tpu.memory_space<hbm>> -> memref<128xi32, #tpu.memory_space<hbm>>
      %dma_start3A_485 = arith.constant 256 : i32
      %dma_start3A_486 = tpu.memref_slice %arg10[%dma_start3A_485] : memref<512xi32, #tpu.memory_space<vmem>> -> memref<128xi32, #tpu.memory_space<vmem>>
      %dma_start3A_487 = arith.constant 0 : i32
      %dma_start3A_488 = tpu.memref_slice %arg3[%add3A_26, %dma_start3A_487] : memref<128x128xi32, #tpu.memory_space<hbm>> -> memref<1x128xi32, #tpu.memory_space<hbm>>
      %dma_start3A_489 = tpu.memref_squeeze %dma_start3A_488 : memref<1x128xi32, #tpu.memory_space<hbm>> -> memref<128xi32, #tpu.memory_space<hbm>>
      tpu.enqueue_dma source(%dma_start3A_489 : memref<128xi32, #tpu.memory_space<hbm>>) target(%dma_start3A_486 : memref<128xi32, #tpu.memory_space<vmem>>) target_semaphore(%run_scoped3A : memref<!tpu.dma_semaphore, #tpu.memory_space<semaphore_mem>>)
      %dma_wait3A = arith.constant 256 : i32
      %dma_wait3A_490 = tpu.memref_slice %arg10[%dma_wait3A] : memref<512xi32, #tpu.memory_space<vmem>> -> memref<128xi32, #tpu.memory_space<vmem>>
      %dma_wait3A_491 = arith.constant 0 : i32
      %dma_wait3A_492 = tpu.memref_slice %arg3[%add3A_26, %dma_wait3A_491] : memref<128x128xi32, #tpu.memory_space<hbm>> -> memref<1x128xi32, #tpu.memory_space<hbm>>
      %dma_wait3A_493 = tpu.memref_squeeze %dma_wait3A_492 : memref<1x128xi32, #tpu.memory_space<hbm>> -> memref<128xi32, #tpu.memory_space<hbm>>
      %dma_wait3A_494 = arith.constant 256 : i32
      %dma_wait3A_495 = tpu.memref_slice %arg10[%dma_wait3A_494] : memref<512xi32, #tpu.memory_space<vmem>> -> memref<128xi32, #tpu.memory_space<vmem>>
      %dma_wait3A_496 = arith.constant 0 : i32
      %dma_wait3A_497 = tpu.memref_slice %arg3[%add3A_26, %dma_wait3A_496] : memref<128x128xi32, #tpu.memory_space<hbm>> -> memref<1x128xi32, #tpu.memory_space<hbm>>
      %dma_wait3A_498 = tpu.memref_squeeze %dma_wait3A_497 : memref<1x128xi32, #tpu.memory_space<hbm>> -> memref<128xi32, #tpu.memory_space<hbm>>
      tpu.wait_dma2 semaphore(%run_scoped3A : memref<!tpu.dma_semaphore, #tpu.memory_space<semaphore_mem>>) src(%dma_wait3A_498 : memref<128xi32, #tpu.memory_space<hbm>>) dst(%dma_wait3A_495 : memref<128xi32, #tpu.memory_space<vmem>>)
      tpu.yield
    }) : () -> ()
    %mul3A_27 = arith.constant 4 : i32
    %mul3A_28 = arith.muli %add3A, %mul3A_27 : i32
    %add3A_29 = arith.constant 3 : i32
    %add3A_30 = arith.addi %mul3A_28, %add3A_29 : i32
    "tpu.region"() ({
      %run_scoped3A = tpu.sem_alloc : memref<!tpu.dma_semaphore, #tpu.memory_space<semaphore_mem>>
      %dma_start3A_480 = arith.constant 384 : i32
      %dma_start3A_481 = tpu.memref_slice %arg9[%dma_start3A_480] : memref<512xi32, #tpu.memory_space<vmem>> -> memref<128xi32, #tpu.memory_space<vmem>>
      %dma_start3A_482 = arith.constant 0 : i32
      %dma_start3A_483 = tpu.memref_slice %arg2[%add3A_30, %dma_start3A_482] : memref<128x128xi32, #tpu.memory_space<hbm>> -> memref<1x128xi32, #tpu.memory_space<hbm>>
      %dma_start3A_484 = tpu.memref_squeeze %dma_start3A_483 : memref<1x128xi32, #tpu.memory_space<hbm>> -> memref<128xi32, #tpu.memory_space<hbm>>
      %dma_start3A_485 = arith.constant 384 : i32
      %dma_start3A_486 = tpu.memref_slice %arg9[%dma_start3A_485] : memref<512xi32, #tpu.memory_space<vmem>> -> memref<128xi32, #tpu.memory_space<vmem>>
      %dma_start3A_487 = arith.constant 0 : i32
      %dma_start3A_488 = tpu.memref_slice %arg2[%add3A_30, %dma_start3A_487] : memref<128x128xi32, #tpu.memory_space<hbm>> -> memref<1x128xi32, #tpu.memory_space<hbm>>
      %dma_start3A_489 = tpu.memref_squeeze %dma_start3A_488 : memref<1x128xi32, #tpu.memory_space<hbm>> -> memref<128xi32, #tpu.memory_space<hbm>>
      tpu.enqueue_dma source(%dma_start3A_489 : memref<128xi32, #tpu.memory_space<hbm>>) target(%dma_start3A_486 : memref<128xi32, #tpu.memory_space<vmem>>) target_semaphore(%run_scoped3A : memref<!tpu.dma_semaphore, #tpu.memory_space<semaphore_mem>>)
      %dma_wait3A = arith.constant 384 : i32
      %dma_wait3A_490 = tpu.memref_slice %arg9[%dma_wait3A] : memref<512xi32, #tpu.memory_space<vmem>> -> memref<128xi32, #tpu.memory_space<vmem>>
      %dma_wait3A_491 = arith.constant 0 : i32
      %dma_wait3A_492 = tpu.memref_slice %arg2[%add3A_30, %dma_wait3A_491] : memref<128x128xi32, #tpu.memory_space<hbm>> -> memref<1x128xi32, #tpu.memory_space<hbm>>
      %dma_wait3A_493 = tpu.memref_squeeze %dma_wait3A_492 : memref<1x128xi32, #tpu.memory_space<hbm>> -> memref<128xi32, #tpu.memory_space<hbm>>
      %dma_wait3A_494 = arith.constant 384 : i32
      %dma_wait3A_495 = tpu.memref_slice %arg9[%dma_wait3A_494] : memref<512xi32, #tpu.memory_space<vmem>> -> memref<128xi32, #tpu.memory_space<vmem>>
      %dma_wait3A_496 = arith.constant 0 : i32
      %dma_wait3A_497 = tpu.memref_slice %arg2[%add3A_30, %dma_wait3A_496] : memref<128x128xi32, #tpu.memory_space<hbm>> -> memref<1x128xi32, #tpu.memory_space<hbm>>
      %dma_wait3A_498 = tpu.memref_squeeze %dma_wait3A_497 : memref<1x128xi32, #tpu.memory_space<hbm>> -> memref<128xi32, #tpu.memory_space<hbm>>
      tpu.wait_dma2 semaphore(%run_scoped3A : memref<!tpu.dma_semaphore, #tpu.memory_space<semaphore_mem>>) src(%dma_wait3A_498 : memref<128xi32, #tpu.memory_space<hbm>>) dst(%dma_wait3A_495 : memref<128xi32, #tpu.memory_space<vmem>>)
      tpu.yield
    }) : () -> ()
    %mul3A_31 = arith.constant 4 : i32
    %mul3A_32 = arith.muli %add3A, %mul3A_31 : i32
    %add3A_33 = arith.constant 3 : i32
    %add3A_34 = arith.addi %mul3A_32, %add3A_33 : i32
    "tpu.region"() ({
      %run_scoped3A = tpu.sem_alloc : memref<!tpu.dma_semaphore, #tpu.memory_space<semaphore_mem>>
      %dma_start3A_480 = arith.constant 384 : i32
      %dma_start3A_481 = tpu.memref_slice %arg10[%dma_start3A_480] : memref<512xi32, #tpu.memory_space<vmem>> -> memref<128xi32, #tpu.memory_space<vmem>>
      %dma_start3A_482 = arith.constant 0 : i32
      %dma_start3A_483 = tpu.memref_slice %arg3[%add3A_34, %dma_start3A_482] : memref<128x128xi32, #tpu.memory_space<hbm>> -> memref<1x128xi32, #tpu.memory_space<hbm>>
      %dma_start3A_484 = tpu.memref_squeeze %dma_start3A_483 : memref<1x128xi32, #tpu.memory_space<hbm>> -> memref<128xi32, #tpu.memory_space<hbm>>
      %dma_start3A_485 = arith.constant 384 : i32
      %dma_start3A_486 = tpu.memref_slice %arg10[%dma_start3A_485] : memref<512xi32, #tpu.memory_space<vmem>> -> memref<128xi32, #tpu.memory_space<vmem>>
      %dma_start3A_487 = arith.constant 0 : i32
      %dma_start3A_488 = tpu.memref_slice %arg3[%add3A_34, %dma_start3A_487] : memref<128x128xi32, #tpu.memory_space<hbm>> -> memref<1x128xi32, #tpu.memory_space<hbm>>
      %dma_start3A_489 = tpu.memref_squeeze %dma_start3A_488 : memref<1x128xi32, #tpu.memory_space<hbm>> -> memref<128xi32, #tpu.memory_space<hbm>>
      tpu.enqueue_dma source(%dma_start3A_489 : memref<128xi32, #tpu.memory_space<hbm>>) target(%dma_start3A_486 : memref<128xi32, #tpu.memory_space<vmem>>) target_semaphore(%run_scoped3A : memref<!tpu.dma_semaphore, #tpu.memory_space<semaphore_mem>>)
      %dma_wait3A = arith.constant 384 : i32
      %dma_wait3A_490 = tpu.memref_slice %arg10[%dma_wait3A] : memref<512xi32, #tpu.memory_space<vmem>> -> memref<128xi32, #tpu.memory_space<vmem>>
      %dma_wait3A_491 = arith.constant 0 : i32
      %dma_wait3A_492 = tpu.memref_slice %arg3[%add3A_34, %dma_wait3A_491] : memref<128x128xi32, #tpu.memory_space<hbm>> -> memref<1x128xi32, #tpu.memory_space<hbm>>
      %dma_wait3A_493 = tpu.memref_squeeze %dma_wait3A_492 : memref<1x128xi32, #tpu.memory_space<hbm>> -> memref<128xi32, #tpu.memory_space<hbm>>
      %dma_wait3A_494 = arith.constant 384 : i32
      %dma_wait3A_495 = tpu.memref_slice %arg10[%dma_wait3A_494] : memref<512xi32, #tpu.memory_space<vmem>> -> memref<128xi32, #tpu.memory_space<vmem>>
      %dma_wait3A_496 = arith.constant 0 : i32
      %dma_wait3A_497 = tpu.memref_slice %arg3[%add3A_34, %dma_wait3A_496] : memref<128x128xi32, #tpu.memory_space<hbm>> -> memref<1x128xi32, #tpu.memory_space<hbm>>
      %dma_wait3A_498 = tpu.memref_squeeze %dma_wait3A_497 : memref<1x128xi32, #tpu.memory_space<hbm>> -> memref<128xi32, #tpu.memory_space<hbm>>
      tpu.wait_dma2 semaphore(%run_scoped3A : memref<!tpu.dma_semaphore, #tpu.memory_space<semaphore_mem>>) src(%dma_wait3A_498 : memref<128xi32, #tpu.memory_space<hbm>>) dst(%dma_wait3A_495 : memref<128xi32, #tpu.memory_space<vmem>>)
      tpu.yield
    }) : () -> ()
    "tpu.region"() ({
      %run_scoped3A = tpu.sem_alloc : memref<!tpu.dma_semaphore, #tpu.memory_space<semaphore_mem>>
      tpu.enqueue_dma source(%arg6 : memref<128xf32, #tpu.memory_space<hbm>>) target(%arg13 : memref<128xf32, #tpu.memory_space<vmem>>) target_semaphore(%run_scoped3A : memref<!tpu.dma_semaphore, #tpu.memory_space<semaphore_mem>>)
      tpu.wait_dma2 semaphore(%run_scoped3A : memref<!tpu.dma_semaphore, #tpu.memory_space<semaphore_mem>>) src(%arg6 : memref<128xf32, #tpu.memory_space<hbm>>) dst(%arg13 : memref<128xf32, #tpu.memory_space<vmem>>)
      tpu.yield
    }) : () -> ()
    %iota3A = tpu.iota {dimensions = array<i32: 0>} : vector<16xi32>
    %get3A = arith.constant 0 : index
    %get3A_35 = tpu.vector_load %arg13[%get3A] {strides = array<i32>} : memref<128xf32, #tpu.memory_space<vmem>>, vector<16xf32>,
    %add3A_36 = arith.constant 9.99999997E-7 : f32
    %add3A_37 = vector.broadcast %add3A_36 : f32 to vector<16xf32>
    %add3A_38 = arith.addf %get3A_35, %add3A_37 : vector<16xf32>
    %swap3A = arith.constant 0 : index
    %swap3A_39 = tpu.vector_load %arg13[%swap3A] {strides = array<i32>} : memref<128xf32, #tpu.memory_space<vmem>>, vector<16xf32>,
    tpu.vector_store %arg13[%swap3A], %add3A_38 {strides = array<i32>} : memref<128xf32, #tpu.memory_space<vmem>>, vector<16xf32>,
    %get3A_40 = arith.constant 16 : index
    %get3A_41 = tpu.vector_load %arg13[%get3A_40] {strides = array<i32>} : memref<128xf32, #tpu.memory_space<vmem>>, vector<16xf32>,
    %add3A_42 = arith.constant 9.99999997E-7 : f32
    %add3A_43 = vector.broadcast %add3A_42 : f32 to vector<16xf32>
    %add3A_44 = arith.addf %get3A_41, %add3A_43 : vector<16xf32>
    %swap3A_45 = arith.constant 16 : index
    %swap3A_46 = tpu.vector_load %arg13[%swap3A_45] {strides = array<i32>} : memref<128xf32, #tpu.memory_space<vmem>>, vector<16xf32>,
    tpu.vector_store %arg13[%swap3A_45], %add3A_44 {strides = array<i32>} : memref<128xf32, #tpu.memory_space<vmem>>, vector<16xf32>,
    %get3A_47 = arith.constant 32 : index
    %get3A_48 = tpu.vector_load %arg13[%get3A_47] {strides = array<i32>} : memref<128xf32, #tpu.memory_space<vmem>>, vector<16xf32>,
    %add3A_49 = arith.constant 9.99999997E-7 : f32
    %add3A_50 = vector.broadcast %add3A_49 : f32 to vector<16xf32>
    %add3A_51 = arith.addf %get3A_48, %add3A_50 : vector<16xf32>
    %swap3A_52 = arith.constant 32 : index
    %swap3A_53 = tpu.vector_load %arg13[%swap3A_52] {strides = array<i32>} : memref<128xf32, #tpu.memory_space<vmem>>, vector<16xf32>,
    tpu.vector_store %arg13[%swap3A_52], %add3A_51 {strides = array<i32>} : memref<128xf32, #tpu.memory_space<vmem>>, vector<16xf32>,
    %get3A_54 = arith.constant 48 : index
    %get3A_55 = tpu.vector_load %arg13[%get3A_54] {strides = array<i32>} : memref<128xf32, #tpu.memory_space<vmem>>, vector<16xf32>,
    %add3A_56 = arith.constant 9.99999997E-7 : f32
    %add3A_57 = vector.broadcast %add3A_56 : f32 to vector<16xf32>
    %add3A_58 = arith.addf %get3A_55, %add3A_57 : vector<16xf32>
    %swap3A_59 = arith.constant 48 : index
    %swap3A_60 = tpu.vector_load %arg13[%swap3A_59] {strides = array<i32>} : memref<128xf32, #tpu.memory_space<vmem>>, vector<16xf32>,
    tpu.vector_store %arg13[%swap3A_59], %add3A_58 {strides = array<i32>} : memref<128xf32, #tpu.memory_space<vmem>>, vector<16xf32>,
    %get3A_61 = arith.constant 64 : index
    %get3A_62 = tpu.vector_load %arg13[%get3A_61] {strides = array<i32>} : memref<128xf32, #tpu.memory_space<vmem>>, vector<16xf32>,
    %add3A_63 = arith.constant 9.99999997E-7 : f32
    %add3A_64 = vector.broadcast %add3A_63 : f32 to vector<16xf32>
    %add3A_65 = arith.addf %get3A_62, %add3A_64 : vector<16xf32>
    %swap3A_66 = arith.constant 64 : index
    %swap3A_67 = tpu.vector_load %arg13[%swap3A_66] {strides = array<i32>} : memref<128xf32, #tpu.memory_space<vmem>>, vector<16xf32>,
    tpu.vector_store %arg13[%swap3A_66], %add3A_65 {strides = array<i32>} : memref<128xf32, #tpu.memory_space<vmem>>, vector<16xf32>,
    %get3A_68 = arith.constant 80 : index
    %get3A_69 = tpu.vector_load %arg13[%get3A_68] {strides = array<i32>} : memref<128xf32, #tpu.memory_space<vmem>>, vector<16xf32>,
    %add3A_70 = arith.constant 9.99999997E-7 : f32
    %add3A_71 = vector.broadcast %add3A_70 : f32 to vector<16xf32>
    %add3A_72 = arith.addf %get3A_69, %add3A_71 : vector<16xf32>
    %swap3A_73 = arith.constant 80 : index
    %swap3A_74 = tpu.vector_load %arg13[%swap3A_73] {strides = array<i32>} : memref<128xf32, #tpu.memory_space<vmem>>, vector<16xf32>,
    tpu.vector_store %arg13[%swap3A_73], %add3A_72 {strides = array<i32>} : memref<128xf32, #tpu.memory_space<vmem>>, vector<16xf32>,
    %get3A_75 = arith.constant 96 : index
    %get3A_76 = tpu.vector_load %arg13[%get3A_75] {strides = array<i32>} : memref<128xf32, #tpu.memory_space<vmem>>, vector<16xf32>,
    %add3A_77 = arith.constant 9.99999997E-7 : f32
    %add3A_78 = vector.broadcast %add3A_77 : f32 to vector<16xf32>
    %add3A_79 = arith.addf %get3A_76, %add3A_78 : vector<16xf32>
    %swap3A_80 = arith.constant 96 : index
    %swap3A_81 = tpu.vector_load %arg13[%swap3A_80] {strides = array<i32>} : memref<128xf32, #tpu.memory_space<vmem>>, vector<16xf32>,
    tpu.vector_store %arg13[%swap3A_80], %add3A_79 {strides = array<i32>} : memref<128xf32, #tpu.memory_space<vmem>>, vector<16xf32>,
    %get3A_82 = arith.constant 112 : index
    %get3A_83 = tpu.vector_load %arg13[%get3A_82] {strides = array<i32>} : memref<128xf32, #tpu.memory_space<vmem>>, vector<16xf32>,
    %add3A_84 = arith.constant 9.99999997E-7 : f32
    %add3A_85 = vector.broadcast %add3A_84 : f32 to vector<16xf32>
    %add3A_86 = arith.addf %get3A_83, %add3A_85 : vector<16xf32>
    %swap3A_87 = arith.constant 112 : index
    %swap3A_88 = tpu.vector_load %arg13[%swap3A_87] {strides = array<i32>} : memref<128xf32, #tpu.memory_space<vmem>>, vector<16xf32>,
    tpu.vector_store %arg13[%swap3A_87], %add3A_86 {strides = array<i32>} : memref<128xf32, #tpu.memory_space<vmem>>, vector<16xf32>,
    %get3A_89 = arith.constant 0 : index
    %get3A_90 = tpu.vector_load %arg9[%get3A_89] {strides = array<i32>} : memref<512xi32, #tpu.memory_space<vmem>>, vector<16xi32>,
    %get3A_91 = arith.constant 0 : index
    %get3A_92 = tpu.vector_load %arg10[%get3A_91] {strides = array<i32>} : memref<512xi32, #tpu.memory_space<vmem>>, vector<16xi32>,
    %slice3A = vector.extract_strided_slice %get3A_90 {offsets = [0], sizes = [1], strides = [1]} : vector<16xi32> to vector<1xi32>
    %squeeze3A = vector.extract %slice3A[0] : i32 from vector<1xi32>
    %dma_start3A = arith.constant 0 : i32
    %dma_start3A_93 = arith.constant 0 : i32
    %dma_start3A_94 = tpu.memref_slice %arg11[%dma_start3A, %dma_start3A_93] : memref<32x64xf32, #tpu.memory_space<vmem>> -> memref<1x64xf32, #tpu.memory_space<vmem>>
    %dma_start3A_95 = arith.constant 0 : i32
    %dma_start3A_96 = tpu.memref_slice %arg4[%squeeze3A, %dma_start3A_95] : memref<1000001x64xf32, #tpu.memory_space<hbm>> -> memref<1x64xf32, #tpu.memory_space<hbm>>
    %dma_start3A_97 = arith.constant 0 : i32
    %dma_start3A_98 = arith.constant 0 : i32
    %dma_start3A_99 = tpu.memref_slice %arg11[%dma_start3A_97, %dma_start3A_98] : memref<32x64xf32, #tpu.memory_space<vmem>> -> memref<1x64xf32, #tpu.memory_space<vmem>>
    %dma_start3A_100 = arith.constant 0 : i32
    %dma_start3A_101 = tpu.memref_slice %arg4[%squeeze3A, %dma_start3A_100] : memref<1000001x64xf32, #tpu.memory_space<hbm>> -> memref<1x64xf32, #tpu.memory_space<hbm>>
    tpu.enqueue_dma source(%dma_start3A_101 : memref<1x64xf32, #tpu.memory_space<hbm>>) target(%dma_start3A_99 : memref<1x64xf32, #tpu.memory_space<vmem>>) target_semaphore(%arg16 : memref<!tpu.dma_semaphore, #tpu.memory_space<semaphore_mem>>)
    %slice3A_102 = vector.extract_strided_slice %get3A_92 {offsets = [0], sizes = [1], strides = [1]} : vector<16xi32> to vector<1xi32>
    %squeeze3A_103 = vector.extract %slice3A_102[0] : i32 from vector<1xi32>
    %dma_start3A_104 = arith.constant 0 : i32
    %dma_start3A_105 = arith.constant 0 : i32
    %dma_start3A_106 = tpu.memref_slice %arg12[%dma_start3A_104, %dma_start3A_105] : memref<32x64xf32, #tpu.memory_space<vmem>> -> memref<1x64xf32, #tpu.memory_space<vmem>>
    %dma_start3A_107 = arith.constant 0 : i32
    %dma_start3A_108 = tpu.memref_slice %arg5[%squeeze3A_103, %dma_start3A_107] : memref<1000001x64xf32, #tpu.memory_space<hbm>> -> memref<1x64xf32, #tpu.memory_space<hbm>>
    %dma_start3A_109 = arith.constant 0 : i32
    %dma_start3A_110 = arith.constant 0 : i32
    %dma_start3A_111 = tpu.memref_slice %arg12[%dma_start3A_109, %dma_start3A_110] : memref<32x64xf32, #tpu.memory_space<vmem>> -> memref<1x64xf32, #tpu.memory_space<vmem>>
    %dma_start3A_112 = arith.constant 0 : i32
    %dma_start3A_113 = tpu.memref_slice %arg5[%squeeze3A_103, %dma_start3A_112] : memref<1000001x64xf32, #tpu.memory_space<hbm>> -> memref<1x64xf32, #tpu.memory_space<hbm>>
    tpu.enqueue_dma source(%dma_start3A_113 : memref<1x64xf32, #tpu.memory_space<hbm>>) target(%dma_start3A_111 : memref<1x64xf32, #tpu.memory_space<vmem>>) target_semaphore(%arg17 : memref<!tpu.dma_semaphore, #tpu.memory_space<semaphore_mem>>)
    %slice3A_114 = vector.extract_strided_slice %get3A_90 {offsets = [1], sizes = [1], strides = [1]} : vector<16xi32> to vector<1xi32>
    %squeeze3A_115 = vector.extract %slice3A_114[0] : i32 from vector<1xi32>
    %dma_start3A_116 = arith.constant 1 : i32
    %dma_start3A_117 = arith.constant 0 : i32
    %dma_start3A_118 = tpu.memref_slice %arg11[%dma_start3A_116, %dma_start3A_117] : memref<32x64xf32, #tpu.memory_space<vmem>> -> memref<1x64xf32, #tpu.memory_space<vmem>>
    %dma_start3A_119 = arith.constant 0 : i32
    %dma_start3A_120 = tpu.memref_slice %arg4[%squeeze3A_115, %dma_start3A_119] : memref<1000001x64xf32, #tpu.memory_space<hbm>> -> memref<1x64xf32, #tpu.memory_space<hbm>>
    %dma_start3A_121 = arith.constant 1 : i32
    %dma_start3A_122 = arith.constant 0 : i32
    %dma_start3A_123 = tpu.memref_slice %arg11[%dma_start3A_121, %dma_start3A_122] : memref<32x64xf32, #tpu.memory_space<vmem>> -> memref<1x64xf32, #tpu.memory_space<vmem>>
    %dma_start3A_124 = arith.constant 0 : i32
    %dma_start3A_125 = tpu.memref_slice %arg4[%squeeze3A_115, %dma_start3A_124] : memref<1000001x64xf32, #tpu.memory_space<hbm>> -> memref<1x64xf32, #tpu.memory_space<hbm>>
    tpu.enqueue_dma source(%dma_start3A_125 : memref<1x64xf32, #tpu.memory_space<hbm>>) target(%dma_start3A_123 : memref<1x64xf32, #tpu.memory_space<vmem>>) target_semaphore(%arg16 : memref<!tpu.dma_semaphore, #tpu.memory_space<semaphore_mem>>)
    %slice3A_126 = vector.extract_strided_slice %get3A_92 {offsets = [1], sizes = [1], strides = [1]} : vector<16xi32> to vector<1xi32>
    %squeeze3A_127 = vector.extract %slice3A_126[0] : i32 from vector<1xi32>
    %dma_start3A_128 = arith.constant 1 : i32
    %dma_start3A_129 = arith.constant 0 : i32
    %dma_start3A_130 = tpu.memref_slice %arg12[%dma_start3A_128, %dma_start3A_129] : memref<32x64xf32, #tpu.memory_space<vmem>> -> memref<1x64xf32, #tpu.memory_space<vmem>>
    %dma_start3A_131 = arith.constant 0 : i32
    %dma_start3A_132 = tpu.memref_slice %arg5[%squeeze3A_127, %dma_start3A_131] : memref<1000001x64xf32, #tpu.memory_space<hbm>> -> memref<1x64xf32, #tpu.memory_space<hbm>>
    %dma_start3A_133 = arith.constant 1 : i32
    %dma_start3A_134 = arith.constant 0 : i32
    %dma_start3A_135 = tpu.memref_slice %arg12[%dma_start3A_133, %dma_start3A_134] : memref<32x64xf32, #tpu.memory_space<vmem>> -> memref<1x64xf32, #tpu.memory_space<vmem>>
    %dma_start3A_136 = arith.constant 0 : i32
    %dma_start3A_137 = tpu.memref_slice %arg5[%squeeze3A_127, %dma_start3A_136] : memref<1000001x64xf32, #tpu.memory_space<hbm>> -> memref<1x64xf32, #tpu.memory_space<hbm>>
    tpu.enqueue_dma source(%dma_start3A_137 : memref<1x64xf32, #tpu.memory_space<hbm>>) target(%dma_start3A_135 : memref<1x64xf32, #tpu.memory_space<vmem>>) target_semaphore(%arg17 : memref<!tpu.dma_semaphore, #tpu.memory_space<semaphore_mem>>)
    %slice3A_138 = vector.extract_strided_slice %get3A_90 {offsets = [2], sizes = [1], strides = [1]} : vector<16xi32> to vector<1xi32>
    %squeeze3A_139 = vector.extract %slice3A_138[0] : i32 from vector<1xi32>
    %dma_start3A_140 = arith.constant 2 : i32
    %dma_start3A_141 = arith.constant 0 : i32
    %dma_start3A_142 = tpu.memref_slice %arg11[%dma_start3A_140, %dma_start3A_141] : memref<32x64xf32, #tpu.memory_space<vmem>> -> memref<1x64xf32, #tpu.memory_space<vmem>>
    %dma_start3A_143 = arith.constant 0 : i32
    %dma_start3A_144 = tpu.memref_slice %arg4[%squeeze3A_139, %dma_start3A_143] : memref<1000001x64xf32, #tpu.memory_space<hbm>> -> memref<1x64xf32, #tpu.memory_space<hbm>>
    %dma_start3A_145 = arith.constant 2 : i32
    %dma_start3A_146 = arith.constant 0 : i32
    %dma_start3A_147 = tpu.memref_slice %arg11[%dma_start3A_145, %dma_start3A_146] : memref<32x64xf32, #tpu.memory_space<vmem>> -> memref<1x64xf32, #tpu.memory_space<vmem>>
    %dma_start3A_148 = arith.constant 0 : i32
    %dma_start3A_149 = tpu.memref_slice %arg4[%squeeze3A_139, %dma_start3A_148] : memref<1000001x64xf32, #tpu.memory_space<hbm>> -> memref<1x64xf32, #tpu.memory_space<hbm>>
    tpu.enqueue_dma source(%dma_start3A_149 : memref<1x64xf32, #tpu.memory_space<hbm>>) target(%dma_start3A_147 : memref<1x64xf32, #tpu.memory_space<vmem>>) target_semaphore(%arg16 : memref<!tpu.dma_semaphore, #tpu.memory_space<semaphore_mem>>)
    %slice3A_150 = vector.extract_strided_slice %get3A_92 {offsets = [2], sizes = [1], strides = [1]} : vector<16xi32> to vector<1xi32>
    %squeeze3A_151 = vector.extract %slice3A_150[0] : i32 from vector<1xi32>
    %dma_start3A_152 = arith.constant 2 : i32
    %dma_start3A_153 = arith.constant 0 : i32
    %dma_start3A_154 = tpu.memref_slice %arg12[%dma_start3A_152, %dma_start3A_153] : memref<32x64xf32, #tpu.memory_space<vmem>> -> memref<1x64xf32, #tpu.memory_space<vmem>>
    %dma_start3A_155 = arith.constant 0 : i32
    %dma_start3A_156 = tpu.memref_slice %arg5[%squeeze3A_151, %dma_start3A_155] : memref<1000001x64xf32, #tpu.memory_space<hbm>> -> memref<1x64xf32, #tpu.memory_space<hbm>>
    %dma_start3A_157 = arith.constant 2 : i32
    %dma_start3A_158 = arith.constant 0 : i32
    %dma_start3A_159 = tpu.memref_slice %arg12[%dma_start3A_157, %dma_start3A_158] : memref<32x64xf32, #tpu.memory_space<vmem>> -> memref<1x64xf32, #tpu.memory_space<vmem>>
    %dma_start3A_160 = arith.constant 0 : i32
    %dma_start3A_161 = tpu.memref_slice %arg5[%squeeze3A_151, %dma_start3A_160] : memref<1000001x64xf32, #tpu.memory_space<hbm>> -> memref<1x64xf32, #tpu.memory_space<hbm>>
    tpu.enqueue_dma source(%dma_start3A_161 : memref<1x64xf32, #tpu.memory_space<hbm>>) target(%dma_start3A_159 : memref<1x64xf32, #tpu.memory_space<vmem>>) target_semaphore(%arg17 : memref<!tpu.dma_semaphore, #tpu.memory_space<semaphore_mem>>)
    %slice3A_162 = vector.extract_strided_slice %get3A_90 {offsets = [3], sizes = [1], strides = [1]} : vector<16xi32> to vector<1xi32>
    %squeeze3A_163 = vector.extract %slice3A_162[0] : i32 from vector<1xi32>
    %dma_start3A_164 = arith.constant 3 : i32
    %dma_start3A_165 = arith.constant 0 : i32
    %dma_start3A_166 = tpu.memref_slice %arg11[%dma_start3A_164, %dma_start3A_165] : memref<32x64xf32, #tpu.memory_space<vmem>> -> memref<1x64xf32, #tpu.memory_space<vmem>>
    %dma_start3A_167 = arith.constant 0 : i32
    %dma_start3A_168 = tpu.memref_slice %arg4[%squeeze3A_163, %dma_start3A_167] : memref<1000001x64xf32, #tpu.memory_space<hbm>> -> memref<1x64xf32, #tpu.memory_space<hbm>>
    %dma_start3A_169 = arith.constant 3 : i32
    %dma_start3A_170 = arith.constant 0 : i32
    %dma_start3A_171 = tpu.memref_slice %arg11[%dma_start3A_169, %dma_start3A_170] : memref<32x64xf32, #tpu.memory_space<vmem>> -> memref<1x64xf32, #tpu.memory_space<vmem>>
    %dma_start3A_172 = arith.constant 0 : i32
    %dma_start3A_173 = tpu.memref_slice %arg4[%squeeze3A_163, %dma_start3A_172] : memref<1000001x64xf32, #tpu.memory_space<hbm>> -> memref<1x64xf32, #tpu.memory_space<hbm>>
    tpu.enqueue_dma source(%dma_start3A_173 : memref<1x64xf32, #tpu.memory_space<hbm>>) target(%dma_start3A_171 : memref<1x64xf32, #tpu.memory_space<vmem>>) target_semaphore(%arg16 : memref<!tpu.dma_semaphore, #tpu.memory_space<semaphore_mem>>)
    %slice3A_174 = vector.extract_strided_slice %get3A_92 {offsets = [3], sizes = [1], strides = [1]} : vector<16xi32> to vector<1xi32>
    %squeeze3A_175 = vector.extract %slice3A_174[0] : i32 from vector<1xi32>
    %dma_start3A_176 = arith.constant 3 : i32
    %dma_start3A_177 = arith.constant 0 : i32
    %dma_start3A_178 = tpu.memref_slice %arg12[%dma_start3A_176, %dma_start3A_177] : memref<32x64xf32, #tpu.memory_space<vmem>> -> memref<1x64xf32, #tpu.memory_space<vmem>>
    %dma_start3A_179 = arith.constant 0 : i32
    %dma_start3A_180 = tpu.memref_slice %arg5[%squeeze3A_175, %dma_start3A_179] : memref<1000001x64xf32, #tpu.memory_space<hbm>> -> memref<1x64xf32, #tpu.memory_space<hbm>>
    %dma_start3A_181 = arith.constant 3 : i32
    %dma_start3A_182 = arith.constant 0 : i32
    %dma_start3A_183 = tpu.memref_slice %arg12[%dma_start3A_181, %dma_start3A_182] : memref<32x64xf32, #tpu.memory_space<vmem>> -> memref<1x64xf32, #tpu.memory_space<vmem>>
    %dma_start3A_184 = arith.constant 0 : i32
    %dma_start3A_185 = tpu.memref_slice %arg5[%squeeze3A_175, %dma_start3A_184] : memref<1000001x64xf32, #tpu.memory_space<hbm>> -> memref<1x64xf32, #tpu.memory_space<hbm>>
    tpu.enqueue_dma source(%dma_start3A_185 : memref<1x64xf32, #tpu.memory_space<hbm>>) target(%dma_start3A_183 : memref<1x64xf32, #tpu.memory_space<vmem>>) target_semaphore(%arg17 : memref<!tpu.dma_semaphore, #tpu.memory_space<semaphore_mem>>)
    %slice3A_186 = vector.extract_strided_slice %get3A_90 {offsets = [4], sizes = [1], strides = [1]} : vector<16xi32> to vector<1xi32>
    %squeeze3A_187 = vector.extract %slice3A_186[0] : i32 from vector<1xi32>
    %dma_start3A_188 = arith.constant 4 : i32
    %dma_start3A_189 = arith.constant 0 : i32
    %dma_start3A_190 = tpu.memref_slice %arg11[%dma_start3A_188, %dma_start3A_189] : memref<32x64xf32, #tpu.memory_space<vmem>> -> memref<1x64xf32, #tpu.memory_space<vmem>>
    %dma_start3A_191 = arith.constant 0 : i32
    %dma_start3A_192 = tpu.memref_slice %arg4[%squeeze3A_187, %dma_start3A_191] : memref<1000001x64xf32, #tpu.memory_space<hbm>> -> memref<1x64xf32, #tpu.memory_space<hbm>>
    %dma_start3A_193 = arith.constant 4 : i32
    %dma_start3A_194 = arith.constant 0 : i32
    %dma_start3A_195 = tpu.memref_slice %arg11[%dma_start3A_193, %dma_start3A_194] : memref<32x64xf32, #tpu.memory_space<vmem>> -> memref<1x64xf32, #tpu.memory_space<vmem>>
    %dma_start3A_196 = arith.constant 0 : i32
    %dma_start3A_197 = tpu.memref_slice %arg4[%squeeze3A_187, %dma_start3A_196] : memref<1000001x64xf32, #tpu.memory_space<hbm>> -> memref<1x64xf32, #tpu.memory_space<hbm>>
    tpu.enqueue_dma source(%dma_start3A_197 : memref<1x64xf32, #tpu.memory_space<hbm>>) target(%dma_start3A_195 : memref<1x64xf32, #tpu.memory_space<vmem>>) target_semaphore(%arg16 : memref<!tpu.dma_semaphore, #tpu.memory_space<semaphore_mem>>)
    %slice3A_198 = vector.extract_strided_slice %get3A_92 {offsets = [4], sizes = [1], strides = [1]} : vector<16xi32> to vector<1xi32>
    %squeeze3A_199 = vector.extract %slice3A_198[0] : i32 from vector<1xi32>
    %dma_start3A_200 = arith.constant 4 : i32
    %dma_start3A_201 = arith.constant 0 : i32
    %dma_start3A_202 = tpu.memref_slice %arg12[%dma_start3A_200, %dma_start3A_201] : memref<32x64xf32, #tpu.memory_space<vmem>> -> memref<1x64xf32, #tpu.memory_space<vmem>>
    %dma_start3A_203 = arith.constant 0 : i32
    %dma_start3A_204 = tpu.memref_slice %arg5[%squeeze3A_199, %dma_start3A_203] : memref<1000001x64xf32, #tpu.memory_space<hbm>> -> memref<1x64xf32, #tpu.memory_space<hbm>>
    %dma_start3A_205 = arith.constant 4 : i32
    %dma_start3A_206 = arith.constant 0 : i32
    %dma_start3A_207 = tpu.memref_slice %arg12[%dma_start3A_205, %dma_start3A_206] : memref<32x64xf32, #tpu.memory_space<vmem>> -> memref<1x64xf32, #tpu.memory_space<vmem>>
    %dma_start3A_208 = arith.constant 0 : i32
    %dma_start3A_209 = tpu.memref_slice %arg5[%squeeze3A_199, %dma_start3A_208] : memref<1000001x64xf32, #tpu.memory_space<hbm>> -> memref<1x64xf32, #tpu.memory_space<hbm>>
    tpu.enqueue_dma source(%dma_start3A_209 : memref<1x64xf32, #tpu.memory_space<hbm>>) target(%dma_start3A_207 : memref<1x64xf32, #tpu.memory_space<vmem>>) target_semaphore(%arg17 : memref<!tpu.dma_semaphore, #tpu.memory_space<semaphore_mem>>)
    %slice3A_210 = vector.extract_strided_slice %get3A_90 {offsets = [5], sizes = [1], strides = [1]} : vector<16xi32> to vector<1xi32>
    %squeeze3A_211 = vector.extract %slice3A_210[0] : i32 from vector<1xi32>
    %dma_start3A_212 = arith.constant 5 : i32
    %dma_start3A_213 = arith.constant 0 : i32
    %dma_start3A_214 = tpu.memref_slice %arg11[%dma_start3A_212, %dma_start3A_213] : memref<32x64xf32, #tpu.memory_space<vmem>> -> memref<1x64xf32, #tpu.memory_space<vmem>>
    %dma_start3A_215 = arith.constant 0 : i32
    %dma_start3A_216 = tpu.memref_slice %arg4[%squeeze3A_211, %dma_start3A_215] : memref<1000001x64xf32, #tpu.memory_space<hbm>> -> memref<1x64xf32, #tpu.memory_space<hbm>>
    %dma_start3A_217 = arith.constant 5 : i32
    %dma_start3A_218 = arith.constant 0 : i32
    %dma_start3A_219 = tpu.memref_slice %arg11[%dma_start3A_217, %dma_start3A_218] : memref<32x64xf32, #tpu.memory_space<vmem>> -> memref<1x64xf32, #tpu.memory_space<vmem>>
    %dma_start3A_220 = arith.constant 0 : i32
    %dma_start3A_221 = tpu.memref_slice %arg4[%squeeze3A_211, %dma_start3A_220] : memref<1000001x64xf32, #tpu.memory_space<hbm>> -> memref<1x64xf32, #tpu.memory_space<hbm>>
    tpu.enqueue_dma source(%dma_start3A_221 : memref<1x64xf32, #tpu.memory_space<hbm>>) target(%dma_start3A_219 : memref<1x64xf32, #tpu.memory_space<vmem>>) target_semaphore(%arg16 : memref<!tpu.dma_semaphore, #tpu.memory_space<semaphore_mem>>)
    %slice3A_222 = vector.extract_strided_slice %get3A_92 {offsets = [5], sizes = [1], strides = [1]} : vector<16xi32> to vector<1xi32>
    %squeeze3A_223 = vector.extract %slice3A_222[0] : i32 from vector<1xi32>
    %dma_start3A_224 = arith.constant 5 : i32
    %dma_start3A_225 = arith.constant 0 : i32
    %dma_start3A_226 = tpu.memref_slice %arg12[%dma_start3A_224, %dma_start3A_225] : memref<32x64xf32, #tpu.memory_space<vmem>> -> memref<1x64xf32, #tpu.memory_space<vmem>>
    %dma_start3A_227 = arith.constant 0 : i32
    %dma_start3A_228 = tpu.memref_slice %arg5[%squeeze3A_223, %dma_start3A_227] : memref<1000001x64xf32, #tpu.memory_space<hbm>> -> memref<1x64xf32, #tpu.memory_space<hbm>>
    %dma_start3A_229 = arith.constant 5 : i32
    %dma_start3A_230 = arith.constant 0 : i32
    %dma_start3A_231 = tpu.memref_slice %arg12[%dma_start3A_229, %dma_start3A_230] : memref<32x64xf32, #tpu.memory_space<vmem>> -> memref<1x64xf32, #tpu.memory_space<vmem>>
    %dma_start3A_232 = arith.constant 0 : i32
    %dma_start3A_233 = tpu.memref_slice %arg5[%squeeze3A_223, %dma_start3A_232] : memref<1000001x64xf32, #tpu.memory_space<hbm>> -> memref<1x64xf32, #tpu.memory_space<hbm>>
    tpu.enqueue_dma source(%dma_start3A_233 : memref<1x64xf32, #tpu.memory_space<hbm>>) target(%dma_start3A_231 : memref<1x64xf32, #tpu.memory_space<vmem>>) target_semaphore(%arg17 : memref<!tpu.dma_semaphore, #tpu.memory_space<semaphore_mem>>)
    %slice3A_234 = vector.extract_strided_slice %get3A_90 {offsets = [6], sizes = [1], strides = [1]} : vector<16xi32> to vector<1xi32>
    %squeeze3A_235 = vector.extract %slice3A_234[0] : i32 from vector<1xi32>
    %dma_start3A_236 = arith.constant 6 : i32
    %dma_start3A_237 = arith.constant 0 : i32
    %dma_start3A_238 = tpu.memref_slice %arg11[%dma_start3A_236, %dma_start3A_237] : memref<32x64xf32, #tpu.memory_space<vmem>> -> memref<1x64xf32, #tpu.memory_space<vmem>>
    %dma_start3A_239 = arith.constant 0 : i32
    %dma_start3A_240 = tpu.memref_slice %arg4[%squeeze3A_235, %dma_start3A_239] : memref<1000001x64xf32, #tpu.memory_space<hbm>> -> memref<1x64xf32, #tpu.memory_space<hbm>>
    %dma_start3A_241 = arith.constant 6 : i32
    %dma_start3A_242 = arith.constant 0 : i32
    %dma_start3A_243 = tpu.memref_slice %arg11[%dma_start3A_241, %dma_start3A_242] : memref<32x64xf32, #tpu.memory_space<vmem>> -> memref<1x64xf32, #tpu.memory_space<vmem>>
    %dma_start3A_244 = arith.constant 0 : i32
    %dma_start3A_245 = tpu.memref_slice %arg4[%squeeze3A_235, %dma_start3A_244] : memref<1000001x64xf32, #tpu.memory_space<hbm>> -> memref<1x64xf32, #tpu.memory_space<hbm>>
    tpu.enqueue_dma source(%dma_start3A_245 : memref<1x64xf32, #tpu.memory_space<hbm>>) target(%dma_start3A_243 : memref<1x64xf32, #tpu.memory_space<vmem>>) target_semaphore(%arg16 : memref<!tpu.dma_semaphore, #tpu.memory_space<semaphore_mem>>)
    %slice3A_246 = vector.extract_strided_slice %get3A_92 {offsets = [6], sizes = [1], strides = [1]} : vector<16xi32> to vector<1xi32>
    %squeeze3A_247 = vector.extract %slice3A_246[0] : i32 from vector<1xi32>
    %dma_start3A_248 = arith.constant 6 : i32
    %dma_start3A_249 = arith.constant 0 : i32
    %dma_start3A_250 = tpu.memref_slice %arg12[%dma_start3A_248, %dma_start3A_249] : memref<32x64xf32, #tpu.memory_space<vmem>> -> memref<1x64xf32, #tpu.memory_space<vmem>>
    %dma_start3A_251 = arith.constant 0 : i32
    %dma_start3A_252 = tpu.memref_slice %arg5[%squeeze3A_247, %dma_start3A_251] : memref<1000001x64xf32, #tpu.memory_space<hbm>> -> memref<1x64xf32, #tpu.memory_space<hbm>>
    %dma_start3A_253 = arith.constant 6 : i32
    %dma_start3A_254 = arith.constant 0 : i32
    %dma_start3A_255 = tpu.memref_slice %arg12[%dma_start3A_253, %dma_start3A_254] : memref<32x64xf32, #tpu.memory_space<vmem>> -> memref<1x64xf32, #tpu.memory_space<vmem>>
    %dma_start3A_256 = arith.constant 0 : i32
    %dma_start3A_257 = tpu.memref_slice %arg5[%squeeze3A_247, %dma_start3A_256] : memref<1000001x64xf32, #tpu.memory_space<hbm>> -> memref<1x64xf32, #tpu.memory_space<hbm>>
    tpu.enqueue_dma source(%dma_start3A_257 : memref<1x64xf32, #tpu.memory_space<hbm>>) target(%dma_start3A_255 : memref<1x64xf32, #tpu.memory_space<vmem>>) target_semaphore(%arg17 : memref<!tpu.dma_semaphore, #tpu.memory_space<semaphore_mem>>)
    %slice3A_258 = vector.extract_strided_slice %get3A_90 {offsets = [7], sizes = [1], strides = [1]} : vector<16xi32> to vector<1xi32>
    %squeeze3A_259 = vector.extract %slice3A_258[0] : i32 from vector<1xi32>
    %dma_start3A_260 = arith.constant 7 : i32
    %dma_start3A_261 = arith.constant 0 : i32
    %dma_start3A_262 = tpu.memref_slice %arg11[%dma_start3A_260, %dma_start3A_261] : memref<32x64xf32, #tpu.memory_space<vmem>> -> memref<1x64xf32, #tpu.memory_space<vmem>>
    %dma_start3A_263 = arith.constant 0 : i32
    %dma_start3A_264 = tpu.memref_slice %arg4[%squeeze3A_259, %dma_start3A_263] : memref<1000001x64xf32, #tpu.memory_space<hbm>> -> memref<1x64xf32, #tpu.memory_space<hbm>>
    %dma_start3A_265 = arith.constant 7 : i32
    %dma_start3A_266 = arith.constant 0 : i32
    %dma_start3A_267 = tpu.memref_slice %arg11[%dma_start3A_265, %dma_start3A_266] : memref<32x64xf32, #tpu.memory_space<vmem>> -> memref<1x64xf32, #tpu.memory_space<vmem>>
    %dma_start3A_268 = arith.constant 0 : i32
    %dma_start3A_269 = tpu.memref_slice %arg4[%squeeze3A_259, %dma_start3A_268] : memref<1000001x64xf32, #tpu.memory_space<hbm>> -> memref<1x64xf32, #tpu.memory_space<hbm>>
    tpu.enqueue_dma source(%dma_start3A_269 : memref<1x64xf32, #tpu.memory_space<hbm>>) target(%dma_start3A_267 : memref<1x64xf32, #tpu.memory_space<vmem>>) target_semaphore(%arg16 : memref<!tpu.dma_semaphore, #tpu.memory_space<semaphore_mem>>)
    %slice3A_270 = vector.extract_strided_slice %get3A_92 {offsets = [7], sizes = [1], strides = [1]} : vector<16xi32> to vector<1xi32>
    %squeeze3A_271 = vector.extract %slice3A_270[0] : i32 from vector<1xi32>
    %dma_start3A_272 = arith.constant 7 : i32
    %dma_start3A_273 = arith.constant 0 : i32
    %dma_start3A_274 = tpu.memref_slice %arg12[%dma_start3A_272, %dma_start3A_273] : memref<32x64xf32, #tpu.memory_space<vmem>> -> memref<1x64xf32, #tpu.memory_space<vmem>>
    %dma_start3A_275 = arith.constant 0 : i32
    %dma_start3A_276 = tpu.memref_slice %arg5[%squeeze3A_271, %dma_start3A_275] : memref<1000001x64xf32, #tpu.memory_space<hbm>> -> memref<1x64xf32, #tpu.memory_space<hbm>>
    %dma_start3A_277 = arith.constant 7 : i32
    %dma_start3A_278 = arith.constant 0 : i32
    %dma_start3A_279 = tpu.memref_slice %arg12[%dma_start3A_277, %dma_start3A_278] : memref<32x64xf32, #tpu.memory_space<vmem>> -> memref<1x64xf32, #tpu.memory_space<vmem>>
    %dma_start3A_280 = arith.constant 0 : i32
    %dma_start3A_281 = tpu.memref_slice %arg5[%squeeze3A_271, %dma_start3A_280] : memref<1000001x64xf32, #tpu.memory_space<hbm>> -> memref<1x64xf32, #tpu.memory_space<hbm>>
    tpu.enqueue_dma source(%dma_start3A_281 : memref<1x64xf32, #tpu.memory_space<hbm>>) target(%dma_start3A_279 : memref<1x64xf32, #tpu.memory_space<vmem>>) target_semaphore(%arg17 : memref<!tpu.dma_semaphore, #tpu.memory_space<semaphore_mem>>)
    %slice3A_282 = vector.extract_strided_slice %get3A_90 {offsets = [8], sizes = [1], strides = [1]} : vector<16xi32> to vector<1xi32>
    %squeeze3A_283 = vector.extract %slice3A_282[0] : i32 from vector<1xi32>
    %dma_start3A_284 = arith.constant 8 : i32
    %dma_start3A_285 = arith.constant 0 : i32
    %dma_start3A_286 = tpu.memref_slice %arg11[%dma_start3A_284, %dma_start3A_285] : memref<32x64xf32, #tpu.memory_space<vmem>> -> memref<1x64xf32, #tpu.memory_space<vmem>>
    %dma_start3A_287 = arith.constant 0 : i32
    %dma_start3A_288 = tpu.memref_slice %arg4[%squeeze3A_283, %dma_start3A_287] : memref<1000001x64xf32, #tpu.memory_space<hbm>> -> memref<1x64xf32, #tpu.memory_space<hbm>>
    %dma_start3A_289 = arith.constant 8 : i32
    %dma_start3A_290 = arith.constant 0 : i32
    %dma_start3A_291 = tpu.memref_slice %arg11[%dma_start3A_289, %dma_start3A_290] : memref<32x64xf32, #tpu.memory_space<vmem>> -> memref<1x64xf32, #tpu.memory_space<vmem>>
    %dma_start3A_292 = arith.constant 0 : i32
    %dma_start3A_293 = tpu.memref_slice %arg4[%squeeze3A_283, %dma_start3A_292] : memref<1000001x64xf32, #tpu.memory_space<hbm>> -> memref<1x64xf32, #tpu.memory_space<hbm>>
    tpu.enqueue_dma source(%dma_start3A_293 : memref<1x64xf32, #tpu.memory_space<hbm>>) target(%dma_start3A_291 : memref<1x64xf32, #tpu.memory_space<vmem>>) target_semaphore(%arg16 : memref<!tpu.dma_semaphore, #tpu.memory_space<semaphore_mem>>)
    %slice3A_294 = vector.extract_strided_slice %get3A_92 {offsets = [8], sizes = [1], strides = [1]} : vector<16xi32> to vector<1xi32>
    %squeeze3A_295 = vector.extract %slice3A_294[0] : i32 from vector<1xi32>
    %dma_start3A_296 = arith.constant 8 : i32
    %dma_start3A_297 = arith.constant 0 : i32
    %dma_start3A_298 = tpu.memref_slice %arg12[%dma_start3A_296, %dma_start3A_297] : memref<32x64xf32, #tpu.memory_space<vmem>> -> memref<1x64xf32, #tpu.memory_space<vmem>>
    %dma_start3A_299 = arith.constant 0 : i32
    %dma_start3A_300 = tpu.memref_slice %arg5[%squeeze3A_295, %dma_start3A_299] : memref<1000001x64xf32, #tpu.memory_space<hbm>> -> memref<1x64xf32, #tpu.memory_space<hbm>>
    %dma_start3A_301 = arith.constant 8 : i32
    %dma_start3A_302 = arith.constant 0 : i32
    %dma_start3A_303 = tpu.memref_slice %arg12[%dma_start3A_301, %dma_start3A_302] : memref<32x64xf32, #tpu.memory_space<vmem>> -> memref<1x64xf32, #tpu.memory_space<vmem>>
    %dma_start3A_304 = arith.constant 0 : i32
    %dma_start3A_305 = tpu.memref_slice %arg5[%squeeze3A_295, %dma_start3A_304] : memref<1000001x64xf32, #tpu.memory_space<hbm>> -> memref<1x64xf32, #tpu.memory_space<hbm>>
    tpu.enqueue_dma source(%dma_start3A_305 : memref<1x64xf32, #tpu.memory_space<hbm>>) target(%dma_start3A_303 : memref<1x64xf32, #tpu.memory_space<vmem>>) target_semaphore(%arg17 : memref<!tpu.dma_semaphore, #tpu.memory_space<semaphore_mem>>)
    %slice3A_306 = vector.extract_strided_slice %get3A_90 {offsets = [9], sizes = [1], strides = [1]} : vector<16xi32> to vector<1xi32>
    %squeeze3A_307 = vector.extract %slice3A_306[0] : i32 from vector<1xi32>
    %dma_start3A_308 = arith.constant 9 : i32
    %dma_start3A_309 = arith.constant 0 : i32
    %dma_start3A_310 = tpu.memref_slice %arg11[%dma_start3A_308, %dma_start3A_309] : memref<32x64xf32, #tpu.memory_space<vmem>> -> memref<1x64xf32, #tpu.memory_space<vmem>>
    %dma_start3A_311 = arith.constant 0 : i32
    %dma_start3A_312 = tpu.memref_slice %arg4[%squeeze3A_307, %dma_start3A_311] : memref<1000001x64xf32, #tpu.memory_space<hbm>> -> memref<1x64xf32, #tpu.memory_space<hbm>>
    %dma_start3A_313 = arith.constant 9 : i32
    %dma_start3A_314 = arith.constant 0 : i32
    %dma_start3A_315 = tpu.memref_slice %arg11[%dma_start3A_313, %dma_start3A_314] : memref<32x64xf32, #tpu.memory_space<vmem>> -> memref<1x64xf32, #tpu.memory_space<vmem>>
    %dma_start3A_316 = arith.constant 0 : i32
    %dma_start3A_317 = tpu.memref_slice %arg4[%squeeze3A_307, %dma_start3A_316] : memref<1000001x64xf32, #tpu.memory_space<hbm>> -> memref<1x64xf32, #tpu.memory_space<hbm>>
    tpu.enqueue_dma source(%dma_start3A_317 : memref<1x64xf32, #tpu.memory_space<hbm>>) target(%dma_start3A_315 : memref<1x64xf32, #tpu.memory_space<vmem>>) target_semaphore(%arg16 : memref<!tpu.dma_semaphore, #tpu.memory_space<semaphore_mem>>)
    %slice3A_318 = vector.extract_strided_slice %get3A_92 {offsets = [9], sizes = [1], strides = [1]} : vector<16xi32> to vector<1xi32>
    %squeeze3A_319 = vector.extract %slice3A_318[0] : i32 from vector<1xi32>
    %dma_start3A_320 = arith.constant 9 : i32
    %dma_start3A_321 = arith.constant 0 : i32
    %dma_start3A_322 = tpu.memref_slice %arg12[%dma_start3A_320, %dma_start3A_321] : memref<32x64xf32, #tpu.memory_space<vmem>> -> memref<1x64xf32, #tpu.memory_space<vmem>>
    %dma_start3A_323 = arith.constant 0 : i32
    %dma_start3A_324 = tpu.memref_slice %arg5[%squeeze3A_319, %dma_start3A_323] : memref<1000001x64xf32, #tpu.memory_space<hbm>> -> memref<1x64xf32, #tpu.memory_space<hbm>>
    %dma_start3A_325 = arith.constant 9 : i32
    %dma_start3A_326 = arith.constant 0 : i32
    %dma_start3A_327 = tpu.memref_slice %arg12[%dma_start3A_325, %dma_start3A_326] : memref<32x64xf32, #tpu.memory_space<vmem>> -> memref<1x64xf32, #tpu.memory_space<vmem>>
    %dma_start3A_328 = arith.constant 0 : i32
    %dma_start3A_329 = tpu.memref_slice %arg5[%squeeze3A_319, %dma_start3A_328] : memref<1000001x64xf32, #tpu.memory_space<hbm>> -> memref<1x64xf32, #tpu.memory_space<hbm>>
    tpu.enqueue_dma source(%dma_start3A_329 : memref<1x64xf32, #tpu.memory_space<hbm>>) target(%dma_start3A_327 : memref<1x64xf32, #tpu.memory_space<vmem>>) target_semaphore(%arg17 : memref<!tpu.dma_semaphore, #tpu.memory_space<semaphore_mem>>)
    %slice3A_330 = vector.extract_strided_slice %get3A_90 {offsets = [10], sizes = [1], strides = [1]} : vector<16xi32> to vector<1xi32>
    %squeeze3A_331 = vector.extract %slice3A_330[0] : i32 from vector<1xi32>
    %dma_start3A_332 = arith.constant 10 : i32
    %dma_start3A_333 = arith.constant 0 : i32
    %dma_start3A_334 = tpu.memref_slice %arg11[%dma_start3A_332, %dma_start3A_333] : memref<32x64xf32, #tpu.memory_space<vmem>> -> memref<1x64xf32, #tpu.memory_space<vmem>>
    %dma_start3A_335 = arith.constant 0 : i32
    %dma_start3A_336 = tpu.memref_slice %arg4[%squeeze3A_331, %dma_start3A_335] : memref<1000001x64xf32, #tpu.memory_space<hbm>> -> memref<1x64xf32, #tpu.memory_space<hbm>>
    %dma_start3A_337 = arith.constant 10 : i32
    %dma_start3A_338 = arith.constant 0 : i32
    %dma_start3A_339 = tpu.memref_slice %arg11[%dma_start3A_337, %dma_start3A_338] : memref<32x64xf32, #tpu.memory_space<vmem>> -> memref<1x64xf32, #tpu.memory_space<vmem>>
    %dma_start3A_340 = arith.constant 0 : i32
    %dma_start3A_341 = tpu.memref_slice %arg4[%squeeze3A_331, %dma_start3A_340] : memref<1000001x64xf32, #tpu.memory_space<hbm>> -> memref<1x64xf32, #tpu.memory_space<hbm>>
    tpu.enqueue_dma source(%dma_start3A_341 : memref<1x64xf32, #tpu.memory_space<hbm>>) target(%dma_start3A_339 : memref<1x64xf32, #tpu.memory_space<vmem>>) target_semaphore(%arg16 : memref<!tpu.dma_semaphore, #tpu.memory_space<semaphore_mem>>)
    %slice3A_342 = vector.extract_strided_slice %get3A_92 {offsets = [10], sizes = [1], strides = [1]} : vector<16xi32> to vector<1xi32>
    %squeeze3A_343 = vector.extract %slice3A_342[0] : i32 from vector<1xi32>
    %dma_start3A_344 = arith.constant 10 : i32
    %dma_start3A_345 = arith.constant 0 : i32
    %dma_start3A_346 = tpu.memref_slice %arg12[%dma_start3A_344, %dma_start3A_345] : memref<32x64xf32, #tpu.memory_space<vmem>> -> memref<1x64xf32, #tpu.memory_space<vmem>>
    %dma_start3A_347 = arith.constant 0 : i32
    %dma_start3A_348 = tpu.memref_slice %arg5[%squeeze3A_343, %dma_start3A_347] : memref<1000001x64xf32, #tpu.memory_space<hbm>> -> memref<1x64xf32, #tpu.memory_space<hbm>>
    %dma_start3A_349 = arith.constant 10 : i32
    %dma_start3A_350 = arith.constant 0 : i32
    %dma_start3A_351 = tpu.memref_slice %arg12[%dma_start3A_349, %dma_start3A_350] : memref<32x64xf32, #tpu.memory_space<vmem>> -> memref<1x64xf32, #tpu.memory_space<vmem>>
    %dma_start3A_352 = arith.constant 0 : i32
    %dma_start3A_353 = tpu.memref_slice %arg5[%squeeze3A_343, %dma_start3A_352] : memref<1000001x64xf32, #tpu.memory_space<hbm>> -> memref<1x64xf32, #tpu.memory_space<hbm>>
    tpu.enqueue_dma source(%dma_start3A_353 : memref<1x64xf32, #tpu.memory_space<hbm>>) target(%dma_start3A_351 : memref<1x64xf32, #tpu.memory_space<vmem>>) target_semaphore(%arg17 : memref<!tpu.dma_semaphore, #tpu.memory_space<semaphore_mem>>)
    %slice3A_354 = vector.extract_strided_slice %get3A_90 {offsets = [11], sizes = [1], strides = [1]} : vector<16xi32> to vector<1xi32>
    %squeeze3A_355 = vector.extract %slice3A_354[0] : i32 from vector<1xi32>
    %dma_start3A_356 = arith.constant 11 : i32
    %dma_start3A_357 = arith.constant 0 : i32
    %dma_start3A_358 = tpu.memref_slice %arg11[%dma_start3A_356, %dma_start3A_357] : memref<32x64xf32, #tpu.memory_space<vmem>> -> memref<1x64xf32, #tpu.memory_space<vmem>>
    %dma_start3A_359 = arith.constant 0 : i32
    %dma_start3A_360 = tpu.memref_slice %arg4[%squeeze3A_355, %dma_start3A_359] : memref<1000001x64xf32, #tpu.memory_space<hbm>> -> memref<1x64xf32, #tpu.memory_space<hbm>>
    %dma_start3A_361 = arith.constant 11 : i32
    %dma_start3A_362 = arith.constant 0 : i32
    %dma_start3A_363 = tpu.memref_slice %arg11[%dma_start3A_361, %dma_start3A_362] : memref<32x64xf32, #tpu.memory_space<vmem>> -> memref<1x64xf32, #tpu.memory_space<vmem>>
    %dma_start3A_364 = arith.constant 0 : i32
    %dma_start3A_365 = tpu.memref_slice %arg4[%squeeze3A_355, %dma_start3A_364] : memref<1000001x64xf32, #tpu.memory_space<hbm>> -> memref<1x64xf32, #tpu.memory_space<hbm>>
    tpu.enqueue_dma source(%dma_start3A_365 : memref<1x64xf32, #tpu.memory_space<hbm>>) target(%dma_start3A_363 : memref<1x64xf32, #tpu.memory_space<vmem>>) target_semaphore(%arg16 : memref<!tpu.dma_semaphore, #tpu.memory_space<semaphore_mem>>)
    %slice3A_366 = vector.extract_strided_slice %get3A_92 {offsets = [11], sizes = [1], strides = [1]} : vector<16xi32> to vector<1xi32>
    %squeeze3A_367 = vector.extract %slice3A_366[0] : i32 from vector<1xi32>
    %dma_start3A_368 = arith.constant 11 : i32
    %dma_start3A_369 = arith.constant 0 : i32
    %dma_start3A_370 = tpu.memref_slice %arg12[%dma_start3A_368, %dma_start3A_369] : memref<32x64xf32, #tpu.memory_space<vmem>> -> memref<1x64xf32, #tpu.memory_space<vmem>>
    %dma_start3A_371 = arith.constant 0 : i32
    %dma_start3A_372 = tpu.memref_slice %arg5[%squeeze3A_367, %dma_start3A_371] : memref<1000001x64xf32, #tpu.memory_space<hbm>> -> memref<1x64xf32, #tpu.memory_space<hbm>>
    %dma_start3A_373 = arith.constant 11 : i32
    %dma_start3A_374 = arith.constant 0 : i32
    %dma_start3A_375 = tpu.memref_slice %arg12[%dma_start3A_373, %dma_start3A_374] : memref<32x64xf32, #tpu.memory_space<vmem>> -> memref<1x64xf32, #tpu.memory_space<vmem>>
    %dma_start3A_376 = arith.constant 0 : i32
    %dma_start3A_377 = tpu.memref_slice %arg5[%squeeze3A_367, %dma_start3A_376] : memref<1000001x64xf32, #tpu.memory_space<hbm>> -> memref<1x64xf32, #tpu.memory_space<hbm>>
    tpu.enqueue_dma source(%dma_start3A_377 : memref<1x64xf32, #tpu.memory_space<hbm>>) target(%dma_start3A_375 : memref<1x64xf32, #tpu.memory_space<vmem>>) target_semaphore(%arg17 : memref<!tpu.dma_semaphore, #tpu.memory_space<semaphore_mem>>)
    %slice3A_378 = vector.extract_strided_slice %get3A_90 {offsets = [12], sizes = [1], strides = [1]} : vector<16xi32> to vector<1xi32>
    %squeeze3A_379 = vector.extract %slice3A_378[0] : i32 from vector<1xi32>
    %dma_start3A_380 = arith.constant 12 : i32
    %dma_start3A_381 = arith.constant 0 : i32
    %dma_start3A_382 = tpu.memref_slice %arg11[%dma_start3A_380, %dma_start3A_381] : memref<32x64xf32, #tpu.memory_space<vmem>> -> memref<1x64xf32, #tpu.memory_space<vmem>>
    %dma_start3A_383 = arith.constant 0 : i32
    %dma_start3A_384 = tpu.memref_slice %arg4[%squeeze3A_379, %dma_start3A_383] : memref<1000001x64xf32, #tpu.memory_space<hbm>> -> memref<1x64xf32, #tpu.memory_space<hbm>>
    %dma_start3A_385 = arith.constant 12 : i32
    %dma_start3A_386 = arith.constant 0 : i32
    %dma_start3A_387 = tpu.memref_slice %arg11[%dma_start3A_385, %dma_start3A_386] : memref<32x64xf32, #tpu.memory_space<vmem>> -> memref<1x64xf32, #tpu.memory_space<vmem>>
    %dma_start3A_388 = arith.constant 0 : i32
    %dma_start3A_389 = tpu.memref_slice %arg4[%squeeze3A_379, %dma_start3A_388] : memref<1000001x64xf32, #tpu.memory_space<hbm>> -> memref<1x64xf32, #tpu.memory_space<hbm>>
    tpu.enqueue_dma source(%dma_start3A_389 : memref<1x64xf32, #tpu.memory_space<hbm>>) target(%dma_start3A_387 : memref<1x64xf32, #tpu.memory_space<vmem>>) target_semaphore(%arg16 : memref<!tpu.dma_semaphore, #tpu.memory_space<semaphore_mem>>)
    %slice3A_390 = vector.extract_strided_slice %get3A_92 {offsets = [12], sizes = [1], strides = [1]} : vector<16xi32> to vector<1xi32>
    %squeeze3A_391 = vector.extract %slice3A_390[0] : i32 from vector<1xi32>
    %dma_start3A_392 = arith.constant 12 : i32
    %dma_start3A_393 = arith.constant 0 : i32
    %dma_start3A_394 = tpu.memref_slice %arg12[%dma_start3A_392, %dma_start3A_393] : memref<32x64xf32, #tpu.memory_space<vmem>> -> memref<1x64xf32, #tpu.memory_space<vmem>>
    %dma_start3A_395 = arith.constant 0 : i32
    %dma_start3A_396 = tpu.memref_slice %arg5[%squeeze3A_391, %dma_start3A_395] : memref<1000001x64xf32, #tpu.memory_space<hbm>> -> memref<1x64xf32, #tpu.memory_space<hbm>>
    %dma_start3A_397 = arith.constant 12 : i32
    %dma_start3A_398 = arith.constant 0 : i32
    %dma_start3A_399 = tpu.memref_slice %arg12[%dma_start3A_397, %dma_start3A_398] : memref<32x64xf32, #tpu.memory_space<vmem>> -> memref<1x64xf32, #tpu.memory_space<vmem>>
    %dma_start3A_400 = arith.constant 0 : i32
    %dma_start3A_401 = tpu.memref_slice %arg5[%squeeze3A_391, %dma_start3A_400] : memref<1000001x64xf32, #tpu.memory_space<hbm>> -> memref<1x64xf32, #tpu.memory_space<hbm>>
    tpu.enqueue_dma source(%dma_start3A_401 : memref<1x64xf32, #tpu.memory_space<hbm>>) target(%dma_start3A_399 : memref<1x64xf32, #tpu.memory_space<vmem>>) target_semaphore(%arg17 : memref<!tpu.dma_semaphore, #tpu.memory_space<semaphore_mem>>)
    %slice3A_402 = vector.extract_strided_slice %get3A_90 {offsets = [13], sizes = [1], strides = [1]} : vector<16xi32> to vector<1xi32>
    %squeeze3A_403 = vector.extract %slice3A_402[0] : i32 from vector<1xi32>
    %dma_start3A_404 = arith.constant 13 : i32
    %dma_start3A_405 = arith.constant 0 : i32
    %dma_start3A_406 = tpu.memref_slice %arg11[%dma_start3A_404, %dma_start3A_405] : memref<32x64xf32, #tpu.memory_space<vmem>> -> memref<1x64xf32, #tpu.memory_space<vmem>>
    %dma_start3A_407 = arith.constant 0 : i32
    %dma_start3A_408 = tpu.memref_slice %arg4[%squeeze3A_403, %dma_start3A_407] : memref<1000001x64xf32, #tpu.memory_space<hbm>> -> memref<1x64xf32, #tpu.memory_space<hbm>>
    %dma_start3A_409 = arith.constant 13 : i32
    %dma_start3A_410 = arith.constant 0 : i32
    %dma_start3A_411 = tpu.memref_slice %arg11[%dma_start3A_409, %dma_start3A_410] : memref<32x64xf32, #tpu.memory_space<vmem>> -> memref<1x64xf32, #tpu.memory_space<vmem>>
    %dma_start3A_412 = arith.constant 0 : i32
    %dma_start3A_413 = tpu.memref_slice %arg4[%squeeze3A_403, %dma_start3A_412] : memref<1000001x64xf32, #tpu.memory_space<hbm>> -> memref<1x64xf32, #tpu.memory_space<hbm>>
    tpu.enqueue_dma source(%dma_start3A_413 : memref<1x64xf32, #tpu.memory_space<hbm>>) target(%dma_start3A_411 : memref<1x64xf32, #tpu.memory_space<vmem>>) target_semaphore(%arg16 : memref<!tpu.dma_semaphore, #tpu.memory_space<semaphore_mem>>)
    %slice3A_414 = vector.extract_strided_slice %get3A_92 {offsets = [13], sizes = [1], strides = [1]} : vector<16xi32> to vector<1xi32>
    %squeeze3A_415 = vector.extract %slice3A_414[0] : i32 from vector<1xi32>
    %dma_start3A_416 = arith.constant 13 : i32
    %dma_start3A_417 = arith.constant 0 : i32
    %dma_start3A_418 = tpu.memref_slice %arg12[%dma_start3A_416, %dma_start3A_417] : memref<32x64xf32, #tpu.memory_space<vmem>> -> memref<1x64xf32, #tpu.memory_space<vmem>>
    %dma_start3A_419 = arith.constant 0 : i32
    %dma_start3A_420 = tpu.memref_slice %arg5[%squeeze3A_415, %dma_start3A_419] : memref<1000001x64xf32, #tpu.memory_space<hbm>> -> memref<1x64xf32, #tpu.memory_space<hbm>>
    %dma_start3A_421 = arith.constant 13 : i32
    %dma_start3A_422 = arith.constant 0 : i32
    %dma_start3A_423 = tpu.memref_slice %arg12[%dma_start3A_421, %dma_start3A_422] : memref<32x64xf32, #tpu.memory_space<vmem>> -> memref<1x64xf32, #tpu.memory_space<vmem>>
    %dma_start3A_424 = arith.constant 0 : i32
    %dma_start3A_425 = tpu.memref_slice %arg5[%squeeze3A_415, %dma_start3A_424] : memref<1000001x64xf32, #tpu.memory_space<hbm>> -> memref<1x64xf32, #tpu.memory_space<hbm>>
    tpu.enqueue_dma source(%dma_start3A_425 : memref<1x64xf32, #tpu.memory_space<hbm>>) target(%dma_start3A_423 : memref<1x64xf32, #tpu.memory_space<vmem>>) target_semaphore(%arg17 : memref<!tpu.dma_semaphore, #tpu.memory_space<semaphore_mem>>)
    %slice3A_426 = vector.extract_strided_slice %get3A_90 {offsets = [14], sizes = [1], strides = [1]} : vector<16xi32> to vector<1xi32>
    %squeeze3A_427 = vector.extract %slice3A_426[0] : i32 from vector<1xi32>
    %dma_start3A_428 = arith.constant 14 : i32
    %dma_start3A_429 = arith.constant 0 : i32
    %dma_start3A_430 = tpu.memref_slice %arg11[%dma_start3A_428, %dma_start3A_429] : memref<32x64xf32, #tpu.memory_space<vmem>> -> memref<1x64xf32, #tpu.memory_space<vmem>>
    %dma_start3A_431 = arith.constant 0 : i32
    %dma_start3A_432 = tpu.memref_slice %arg4[%squeeze3A_427, %dma_start3A_431] : memref<1000001x64xf32, #tpu.memory_space<hbm>> -> memref<1x64xf32, #tpu.memory_space<hbm>>
    %dma_start3A_433 = arith.constant 14 : i32
    %dma_start3A_434 = arith.constant 0 : i32
    %dma_start3A_435 = tpu.memref_slice %arg11[%dma_start3A_433, %dma_start3A_434] : memref<32x64xf32, #tpu.memory_space<vmem>> -> memref<1x64xf32, #tpu.memory_space<vmem>>
    %dma_start3A_436 = arith.constant 0 : i32
    %dma_start3A_437 = tpu.memref_slice %arg4[%squeeze3A_427, %dma_start3A_436] : memref<1000001x64xf32, #tpu.memory_space<hbm>> -> memref<1x64xf32, #tpu.memory_space<hbm>>
    tpu.enqueue_dma source(%dma_start3A_437 : memref<1x64xf32, #tpu.memory_space<hbm>>) target(%dma_start3A_435 : memref<1x64xf32, #tpu.memory_space<vmem>>) target_semaphore(%arg16 : memref<!tpu.dma_semaphore, #tpu.memory_space<semaphore_mem>>)
    %slice3A_438 = vector.extract_strided_slice %get3A_92 {offsets = [14], sizes = [1], strides = [1]} : vector<16xi32> to vector<1xi32>
    %squeeze3A_439 = vector.extract %slice3A_438[0] : i32 from vector<1xi32>
    %dma_start3A_440 = arith.constant 14 : i32
    %dma_start3A_441 = arith.constant 0 : i32
    %dma_start3A_442 = tpu.memref_slice %arg12[%dma_start3A_440, %dma_start3A_441] : memref<32x64xf32, #tpu.memory_space<vmem>> -> memref<1x64xf32, #tpu.memory_space<vmem>>
    %dma_start3A_443 = arith.constant 0 : i32
    %dma_start3A_444 = tpu.memref_slice %arg5[%squeeze3A_439, %dma_start3A_443] : memref<1000001x64xf32, #tpu.memory_space<hbm>> -> memref<1x64xf32, #tpu.memory_space<hbm>>
    %dma_start3A_445 = arith.constant 14 : i32
    %dma_start3A_446 = arith.constant 0 : i32
    %dma_start3A_447 = tpu.memref_slice %arg12[%dma_start3A_445, %dma_start3A_446] : memref<32x64xf32, #tpu.memory_space<vmem>> -> memref<1x64xf32, #tpu.memory_space<vmem>>
    %dma_start3A_448 = arith.constant 0 : i32
    %dma_start3A_449 = tpu.memref_slice %arg5[%squeeze3A_439, %dma_start3A_448] : memref<1000001x64xf32, #tpu.memory_space<hbm>> -> memref<1x64xf32, #tpu.memory_space<hbm>>
    tpu.enqueue_dma source(%dma_start3A_449 : memref<1x64xf32, #tpu.memory_space<hbm>>) target(%dma_start3A_447 : memref<1x64xf32, #tpu.memory_space<vmem>>) target_semaphore(%arg17 : memref<!tpu.dma_semaphore, #tpu.memory_space<semaphore_mem>>)
    %slice3A_450 = vector.extract_strided_slice %get3A_90 {offsets = [15], sizes = [1], strides = [1]} : vector<16xi32> to vector<1xi32>
    %squeeze3A_451 = vector.extract %slice3A_450[0] : i32 from vector<1xi32>
    %dma_start3A_452 = arith.constant 15 : i32
    %dma_start3A_453 = arith.constant 0 : i32
    %dma_start3A_454 = tpu.memref_slice %arg11[%dma_start3A_452, %dma_start3A_453] : memref<32x64xf32, #tpu.memory_space<vmem>> -> memref<1x64xf32, #tpu.memory_space<vmem>>
    %dma_start3A_455 = arith.constant 0 : i32
    %dma_start3A_456 = tpu.memref_slice %arg4[%squeeze3A_451, %dma_start3A_455] : memref<1000001x64xf32, #tpu.memory_space<hbm>> -> memref<1x64xf32, #tpu.memory_space<hbm>>
    %dma_start3A_457 = arith.constant 15 : i32
    %dma_start3A_458 = arith.constant 0 : i32
    %dma_start3A_459 = tpu.memref_slice %arg11[%dma_start3A_457, %dma_start3A_458] : memref<32x64xf32, #tpu.memory_space<vmem>> -> memref<1x64xf32, #tpu.memory_space<vmem>>
    %dma_start3A_460 = arith.constant 0 : i32
    %dma_start3A_461 = tpu.memref_slice %arg4[%squeeze3A_451, %dma_start3A_460] : memref<1000001x64xf32, #tpu.memory_space<hbm>> -> memref<1x64xf32, #tpu.memory_space<hbm>>
    tpu.enqueue_dma source(%dma_start3A_461 : memref<1x64xf32, #tpu.memory_space<hbm>>) target(%dma_start3A_459 : memref<1x64xf32, #tpu.memory_space<vmem>>) target_semaphore(%arg16 : memref<!tpu.dma_semaphore, #tpu.memory_space<semaphore_mem>>)
    %slice3A_462 = vector.extract_strided_slice %get3A_92 {offsets = [15], sizes = [1], strides = [1]} : vector<16xi32> to vector<1xi32>
    %squeeze3A_463 = vector.extract %slice3A_462[0] : i32 from vector<1xi32>
    %dma_start3A_464 = arith.constant 15 : i32
    %dma_start3A_465 = arith.constant 0 : i32
    %dma_start3A_466 = tpu.memref_slice %arg12[%dma_start3A_464, %dma_start3A_465] : memref<32x64xf32, #tpu.memory_space<vmem>> -> memref<1x64xf32, #tpu.memory_space<vmem>>
    %dma_start3A_467 = arith.constant 0 : i32
    %dma_start3A_468 = tpu.memref_slice %arg5[%squeeze3A_463, %dma_start3A_467] : memref<1000001x64xf32, #tpu.memory_space<hbm>> -> memref<1x64xf32, #tpu.memory_space<hbm>>
    %dma_start3A_469 = arith.constant 15 : i32
    %dma_start3A_470 = arith.constant 0 : i32
    %dma_start3A_471 = tpu.memref_slice %arg12[%dma_start3A_469, %dma_start3A_470] : memref<32x64xf32, #tpu.memory_space<vmem>> -> memref<1x64xf32, #tpu.memory_space<vmem>>
    %dma_start3A_472 = arith.constant 0 : i32
    %dma_start3A_473 = tpu.memref_slice %arg5[%squeeze3A_463, %dma_start3A_472] : memref<1000001x64xf32, #tpu.memory_space<hbm>> -> memref<1x64xf32, #tpu.memory_space<hbm>>
    tpu.enqueue_dma source(%dma_start3A_473 : memref<1x64xf32, #tpu.memory_space<hbm>>) target(%dma_start3A_471 : memref<1x64xf32, #tpu.memory_space<vmem>>) target_semaphore(%arg17 : memref<!tpu.dma_semaphore, #tpu.memory_space<semaphore_mem>>)
    %scan3A = arith.constant 0 : i32
    %scan3A_474 = arith.constant 0 : i32
    %scan3A_475 = arith.constant 32 : i32
    %scan3A_476 = arith.addi %scan3A_474, %scan3A_475 : i32
    %scan3A_477 = arith.constant 1 : i32
    %scan3A_478 = scf.for %scan3A_480 = %scan3A_474 to %scan3A_476 step %scan3A_477 iter_args(%scan3A_481 = %scan3A) -> (i32)  : i32 {
      %rem3A = arith.constant 2 : i32
      %rem3A_482 = arith.remsi %scan3A_480, %rem3A : i32
      %add3A_483 = arith.constant 1 : i32
      %add3A_484 = arith.addi %scan3A_480, %add3A_483 : i32
      %rem3A_485 = arith.constant 2 : i32
      %rem3A_486 = arith.remsi %add3A_484, %rem3A_485 : i32
      %add3A_487 = arith.constant 1 : i32
      %add3A_488 = arith.addi %scan3A_480, %add3A_487 : i32
      %lt3A = arith.constant 32 : i32
      %lt3A_489 = arith.cmpi slt, %add3A_488, %lt3A : i32
      %convert_element_type3A = arith.extui %lt3A_489 : i1 to i32
      %cond3A = arith.constant 0 : i32
      %cond3A_490 = arith.cmpi ne, %convert_element_type3A, %cond3A : i32
      scf.if %cond3A_490 {
        %add3A_585 = arith.constant 1 : i32
        %add3A_586 = arith.addi %scan3A_480, %add3A_585 : i32
        %mul3A_587 = arith.constant 16 : i32
        %mul3A_588 = arith.muli %add3A_586, %mul3A_587 : i32
        %get3A_589 = arith.index_cast %mul3A_588 : i32 to index
        %get3A_590 = tpu.vector_load %arg9[%get3A_589] {strides = array<i32>} : memref<512xi32, #tpu.memory_space<vmem>>, vector<16xi32>,
        %mul3A_591 = arith.constant 16 : i32
        %mul3A_592 = arith.muli %add3A_586, %mul3A_591 : i32
        %get3A_593 = arith.index_cast %mul3A_592 : i32 to index
        %get3A_594 = tpu.vector_load %arg10[%get3A_593] {strides = array<i32>} : memref<512xi32, #tpu.memory_space<vmem>>, vector<16xi32>,
        %slice3A_595 = vector.extract_strided_slice %get3A_590 {offsets = [0], sizes = [1], strides = [1]} : vector<16xi32> to vector<1xi32>
        %squeeze3A_596 = vector.extract %slice3A_595[0] : i32 from vector<1xi32>
        %mul3A_597 = arith.constant 16 : i32
        %mul3A_598 = arith.muli %rem3A_486, %mul3A_597 : i32
        %add3A_599 = arith.constant 0 : i32
        %add3A_600 = arith.addi %mul3A_598, %add3A_599 : i32
        %dma_start3A_601 = arith.constant 0 : i32
        %dma_start3A_602 = tpu.memref_slice %arg11[%add3A_600, %dma_start3A_601] : memref<32x64xf32, #tpu.memory_space<vmem>> -> memref<1x64xf32, #tpu.memory_space<vmem>>
        %dma_start3A_603 = arith.constant 0 : i32
        %dma_start3A_604 = tpu.memref_slice %arg4[%squeeze3A_596, %dma_start3A_603] : memref<1000001x64xf32, #tpu.memory_space<hbm>> -> memref<1x64xf32, #tpu.memory_space<hbm>>
        %dma_start3A_605 = arith.constant 0 : i32
        %dma_start3A_606 = tpu.memref_slice %arg11[%add3A_600, %dma_start3A_605] : memref<32x64xf32, #tpu.memory_space<vmem>> -> memref<1x64xf32, #tpu.memory_space<vmem>>
        %dma_start3A_607 = arith.constant 0 : i32
        %dma_start3A_608 = tpu.memref_slice %arg4[%squeeze3A_596, %dma_start3A_607] : memref<1000001x64xf32, #tpu.memory_space<hbm>> -> memref<1x64xf32, #tpu.memory_space<hbm>>
        tpu.enqueue_dma source(%dma_start3A_608 : memref<1x64xf32, #tpu.memory_space<hbm>>) target(%dma_start3A_606 : memref<1x64xf32, #tpu.memory_space<vmem>>) target_semaphore(%arg16 : memref<!tpu.dma_semaphore, #tpu.memory_space<semaphore_mem>>)
        %slice3A_609 = vector.extract_strided_slice %get3A_594 {offsets = [0], sizes = [1], strides = [1]} : vector<16xi32> to vector<1xi32>
        %squeeze3A_610 = vector.extract %slice3A_609[0] : i32 from vector<1xi32>
        %mul3A_611 = arith.constant 16 : i32
        %mul3A_612 = arith.muli %rem3A_486, %mul3A_611 : i32
        %add3A_613 = arith.constant 0 : i32
        %add3A_614 = arith.addi %mul3A_612, %add3A_613 : i32
        %dma_start3A_615 = arith.constant 0 : i32
        %dma_start3A_616 = tpu.memref_slice %arg12[%add3A_614, %dma_start3A_615] : memref<32x64xf32, #tpu.memory_space<vmem>> -> memref<1x64xf32, #tpu.memory_space<vmem>>
        %dma_start3A_617 = arith.constant 0 : i32
        %dma_start3A_618 = tpu.memref_slice %arg5[%squeeze3A_610, %dma_start3A_617] : memref<1000001x64xf32, #tpu.memory_space<hbm>> -> memref<1x64xf32, #tpu.memory_space<hbm>>
        %dma_start3A_619 = arith.constant 0 : i32
        %dma_start3A_620 = tpu.memref_slice %arg12[%add3A_614, %dma_start3A_619] : memref<32x64xf32, #tpu.memory_space<vmem>> -> memref<1x64xf32, #tpu.memory_space<vmem>>
        %dma_start3A_621 = arith.constant 0 : i32
        %dma_start3A_622 = tpu.memref_slice %arg5[%squeeze3A_610, %dma_start3A_621] : memref<1000001x64xf32, #tpu.memory_space<hbm>> -> memref<1x64xf32, #tpu.memory_space<hbm>>
        tpu.enqueue_dma source(%dma_start3A_622 : memref<1x64xf32, #tpu.memory_space<hbm>>) target(%dma_start3A_620 : memref<1x64xf32, #tpu.memory_space<vmem>>) target_semaphore(%arg17 : memref<!tpu.dma_semaphore, #tpu.memory_space<semaphore_mem>>)
        %slice3A_623 = vector.extract_strided_slice %get3A_590 {offsets = [1], sizes = [1], strides = [1]} : vector<16xi32> to vector<1xi32>
        %squeeze3A_624 = vector.extract %slice3A_623[0] : i32 from vector<1xi32>
        %mul3A_625 = arith.constant 16 : i32
        %mul3A_626 = arith.muli %rem3A_486, %mul3A_625 : i32
        %add3A_627 = arith.constant 1 : i32
        %add3A_628 = arith.addi %mul3A_626, %add3A_627 : i32
        %dma_start3A_629 = arith.constant 0 : i32
        %dma_start3A_630 = tpu.memref_slice %arg11[%add3A_628, %dma_start3A_629] : memref<32x64xf32, #tpu.memory_space<vmem>> -> memref<1x64xf32, #tpu.memory_space<vmem>>
        %dma_start3A_631 = arith.constant 0 : i32
        %dma_start3A_632 = tpu.memref_slice %arg4[%squeeze3A_624, %dma_start3A_631] : memref<1000001x64xf32, #tpu.memory_space<hbm>> -> memref<1x64xf32, #tpu.memory_space<hbm>>
        %dma_start3A_633 = arith.constant 0 : i32
        %dma_start3A_634 = tpu.memref_slice %arg11[%add3A_628, %dma_start3A_633] : memref<32x64xf32, #tpu.memory_space<vmem>> -> memref<1x64xf32, #tpu.memory_space<vmem>>
        %dma_start3A_635 = arith.constant 0 : i32
        %dma_start3A_636 = tpu.memref_slice %arg4[%squeeze3A_624, %dma_start3A_635] : memref<1000001x64xf32, #tpu.memory_space<hbm>> -> memref<1x64xf32, #tpu.memory_space<hbm>>
        tpu.enqueue_dma source(%dma_start3A_636 : memref<1x64xf32, #tpu.memory_space<hbm>>) target(%dma_start3A_634 : memref<1x64xf32, #tpu.memory_space<vmem>>) target_semaphore(%arg16 : memref<!tpu.dma_semaphore, #tpu.memory_space<semaphore_mem>>)
        %slice3A_637 = vector.extract_strided_slice %get3A_594 {offsets = [1], sizes = [1], strides = [1]} : vector<16xi32> to vector<1xi32>
        %squeeze3A_638 = vector.extract %slice3A_637[0] : i32 from vector<1xi32>
        %mul3A_639 = arith.constant 16 : i32
        %mul3A_640 = arith.muli %rem3A_486, %mul3A_639 : i32
        %add3A_641 = arith.constant 1 : i32
        %add3A_642 = arith.addi %mul3A_640, %add3A_641 : i32
        %dma_start3A_643 = arith.constant 0 : i32
        %dma_start3A_644 = tpu.memref_slice %arg12[%add3A_642, %dma_start3A_643] : memref<32x64xf32, #tpu.memory_space<vmem>> -> memref<1x64xf32, #tpu.memory_space<vmem>>
        %dma_start3A_645 = arith.constant 0 : i32
        %dma_start3A_646 = tpu.memref_slice %arg5[%squeeze3A_638, %dma_start3A_645] : memref<1000001x64xf32, #tpu.memory_space<hbm>> -> memref<1x64xf32, #tpu.memory_space<hbm>>
        %dma_start3A_647 = arith.constant 0 : i32
        %dma_start3A_648 = tpu.memref_slice %arg12[%add3A_642, %dma_start3A_647] : memref<32x64xf32, #tpu.memory_space<vmem>> -> memref<1x64xf32, #tpu.memory_space<vmem>>
        %dma_start3A_649 = arith.constant 0 : i32
        %dma_start3A_650 = tpu.memref_slice %arg5[%squeeze3A_638, %dma_start3A_649] : memref<1000001x64xf32, #tpu.memory_space<hbm>> -> memref<1x64xf32, #tpu.memory_space<hbm>>
        tpu.enqueue_dma source(%dma_start3A_650 : memref<1x64xf32, #tpu.memory_space<hbm>>) target(%dma_start3A_648 : memref<1x64xf32, #tpu.memory_space<vmem>>) target_semaphore(%arg17 : memref<!tpu.dma_semaphore, #tpu.memory_space<semaphore_mem>>)
        %slice3A_651 = vector.extract_strided_slice %get3A_590 {offsets = [2], sizes = [1], strides = [1]} : vector<16xi32> to vector<1xi32>
        %squeeze3A_652 = vector.extract %slice3A_651[0] : i32 from vector<1xi32>
        %mul3A_653 = arith.constant 16 : i32
        %mul3A_654 = arith.muli %rem3A_486, %mul3A_653 : i32
        %add3A_655 = arith.constant 2 : i32
        %add3A_656 = arith.addi %mul3A_654, %add3A_655 : i32
        %dma_start3A_657 = arith.constant 0 : i32
        %dma_start3A_658 = tpu.memref_slice %arg11[%add3A_656, %dma_start3A_657] : memref<32x64xf32, #tpu.memory_space<vmem>> -> memref<1x64xf32, #tpu.memory_space<vmem>>
        %dma_start3A_659 = arith.constant 0 : i32
        %dma_start3A_660 = tpu.memref_slice %arg4[%squeeze3A_652, %dma_start3A_659] : memref<1000001x64xf32, #tpu.memory_space<hbm>> -> memref<1x64xf32, #tpu.memory_space<hbm>>
        %dma_start3A_661 = arith.constant 0 : i32
        %dma_start3A_662 = tpu.memref_slice %arg11[%add3A_656, %dma_start3A_661] : memref<32x64xf32, #tpu.memory_space<vmem>> -> memref<1x64xf32, #tpu.memory_space<vmem>>
        %dma_start3A_663 = arith.constant 0 : i32
        %dma_start3A_664 = tpu.memref_slice %arg4[%squeeze3A_652, %dma_start3A_663] : memref<1000001x64xf32, #tpu.memory_space<hbm>> -> memref<1x64xf32, #tpu.memory_space<hbm>>
        tpu.enqueue_dma source(%dma_start3A_664 : memref<1x64xf32, #tpu.memory_space<hbm>>) target(%dma_start3A_662 : memref<1x64xf32, #tpu.memory_space<vmem>>) target_semaphore(%arg16 : memref<!tpu.dma_semaphore, #tpu.memory_space<semaphore_mem>>)
        %slice3A_665 = vector.extract_strided_slice %get3A_594 {offsets = [2], sizes = [1], strides = [1]} : vector<16xi32> to vector<1xi32>
        %squeeze3A_666 = vector.extract %slice3A_665[0] : i32 from vector<1xi32>
        %mul3A_667 = arith.constant 16 : i32
        %mul3A_668 = arith.muli %rem3A_486, %mul3A_667 : i32
        %add3A_669 = arith.constant 2 : i32
        %add3A_670 = arith.addi %mul3A_668, %add3A_669 : i32
        %dma_start3A_671 = arith.constant 0 : i32
        %dma_start3A_672 = tpu.memref_slice %arg12[%add3A_670, %dma_start3A_671] : memref<32x64xf32, #tpu.memory_space<vmem>> -> memref<1x64xf32, #tpu.memory_space<vmem>>
        %dma_start3A_673 = arith.constant 0 : i32
        %dma_start3A_674 = tpu.memref_slice %arg5[%squeeze3A_666, %dma_start3A_673] : memref<1000001x64xf32, #tpu.memory_space<hbm>> -> memref<1x64xf32, #tpu.memory_space<hbm>>
        %dma_start3A_675 = arith.constant 0 : i32
        %dma_start3A_676 = tpu.memref_slice %arg12[%add3A_670, %dma_start3A_675] : memref<32x64xf32, #tpu.memory_space<vmem>> -> memref<1x64xf32, #tpu.memory_space<vmem>>
        %dma_start3A_677 = arith.constant 0 : i32
        %dma_start3A_678 = tpu.memref_slice %arg5[%squeeze3A_666, %dma_start3A_677] : memref<1000001x64xf32, #tpu.memory_space<hbm>> -> memref<1x64xf32, #tpu.memory_space<hbm>>
        tpu.enqueue_dma source(%dma_start3A_678 : memref<1x64xf32, #tpu.memory_space<hbm>>) target(%dma_start3A_676 : memref<1x64xf32, #tpu.memory_space<vmem>>) target_semaphore(%arg17 : memref<!tpu.dma_semaphore, #tpu.memory_space<semaphore_mem>>)
        %slice3A_679 = vector.extract_strided_slice %get3A_590 {offsets = [3], sizes = [1], strides = [1]} : vector<16xi32> to vector<1xi32>
        %squeeze3A_680 = vector.extract %slice3A_679[0] : i32 from vector<1xi32>
        %mul3A_681 = arith.constant 16 : i32
        %mul3A_682 = arith.muli %rem3A_486, %mul3A_681 : i32
        %add3A_683 = arith.constant 3 : i32
        %add3A_684 = arith.addi %mul3A_682, %add3A_683 : i32
        %dma_start3A_685 = arith.constant 0 : i32
        %dma_start3A_686 = tpu.memref_slice %arg11[%add3A_684, %dma_start3A_685] : memref<32x64xf32, #tpu.memory_space<vmem>> -> memref<1x64xf32, #tpu.memory_space<vmem>>
        %dma_start3A_687 = arith.constant 0 : i32
        %dma_start3A_688 = tpu.memref_slice %arg4[%squeeze3A_680, %dma_start3A_687] : memref<1000001x64xf32, #tpu.memory_space<hbm>> -> memref<1x64xf32, #tpu.memory_space<hbm>>
        %dma_start3A_689 = arith.constant 0 : i32
        %dma_start3A_690 = tpu.memref_slice %arg11[%add3A_684, %dma_start3A_689] : memref<32x64xf32, #tpu.memory_space<vmem>> -> memref<1x64xf32, #tpu.memory_space<vmem>>
        %dma_start3A_691 = arith.constant 0 : i32
        %dma_start3A_692 = tpu.memref_slice %arg4[%squeeze3A_680, %dma_start3A_691] : memref<1000001x64xf32, #tpu.memory_space<hbm>> -> memref<1x64xf32, #tpu.memory_space<hbm>>
        tpu.enqueue_dma source(%dma_start3A_692 : memref<1x64xf32, #tpu.memory_space<hbm>>) target(%dma_start3A_690 : memref<1x64xf32, #tpu.memory_space<vmem>>) target_semaphore(%arg16 : memref<!tpu.dma_semaphore, #tpu.memory_space<semaphore_mem>>)
        %slice3A_693 = vector.extract_strided_slice %get3A_594 {offsets = [3], sizes = [1], strides = [1]} : vector<16xi32> to vector<1xi32>
        %squeeze3A_694 = vector.extract %slice3A_693[0] : i32 from vector<1xi32>
        %mul3A_695 = arith.constant 16 : i32
        %mul3A_696 = arith.muli %rem3A_486, %mul3A_695 : i32
        %add3A_697 = arith.constant 3 : i32
        %add3A_698 = arith.addi %mul3A_696, %add3A_697 : i32
        %dma_start3A_699 = arith.constant 0 : i32
        %dma_start3A_700 = tpu.memref_slice %arg12[%add3A_698, %dma_start3A_699] : memref<32x64xf32, #tpu.memory_space<vmem>> -> memref<1x64xf32, #tpu.memory_space<vmem>>
        %dma_start3A_701 = arith.constant 0 : i32
        %dma_start3A_702 = tpu.memref_slice %arg5[%squeeze3A_694, %dma_start3A_701] : memref<1000001x64xf32, #tpu.memory_space<hbm>> -> memref<1x64xf32, #tpu.memory_space<hbm>>
        %dma_start3A_703 = arith.constant 0 : i32
        %dma_start3A_704 = tpu.memref_slice %arg12[%add3A_698, %dma_start3A_703] : memref<32x64xf32, #tpu.memory_space<vmem>> -> memref<1x64xf32, #tpu.memory_space<vmem>>
        %dma_start3A_705 = arith.constant 0 : i32
        %dma_start3A_706 = tpu.memref_slice %arg5[%squeeze3A_694, %dma_start3A_705] : memref<1000001x64xf32, #tpu.memory_space<hbm>> -> memref<1x64xf32, #tpu.memory_space<hbm>>
        tpu.enqueue_dma source(%dma_start3A_706 : memref<1x64xf32, #tpu.memory_space<hbm>>) target(%dma_start3A_704 : memref<1x64xf32, #tpu.memory_space<vmem>>) target_semaphore(%arg17 : memref<!tpu.dma_semaphore, #tpu.memory_space<semaphore_mem>>)
        %slice3A_707 = vector.extract_strided_slice %get3A_590 {offsets = [4], sizes = [1], strides = [1]} : vector<16xi32> to vector<1xi32>
        %squeeze3A_708 = vector.extract %slice3A_707[0] : i32 from vector<1xi32>
        %mul3A_709 = arith.constant 16 : i32
        %mul3A_710 = arith.muli %rem3A_486, %mul3A_709 : i32
        %add3A_711 = arith.constant 4 : i32
        %add3A_712 = arith.addi %mul3A_710, %add3A_711 : i32
        %dma_start3A_713 = arith.constant 0 : i32
        %dma_start3A_714 = tpu.memref_slice %arg11[%add3A_712, %dma_start3A_713] : memref<32x64xf32, #tpu.memory_space<vmem>> -> memref<1x64xf32, #tpu.memory_space<vmem>>
        %dma_start3A_715 = arith.constant 0 : i32
        %dma_start3A_716 = tpu.memref_slice %arg4[%squeeze3A_708, %dma_start3A_715] : memref<1000001x64xf32, #tpu.memory_space<hbm>> -> memref<1x64xf32, #tpu.memory_space<hbm>>
        %dma_start3A_717 = arith.constant 0 : i32
        %dma_start3A_718 = tpu.memref_slice %arg11[%add3A_712, %dma_start3A_717] : memref<32x64xf32, #tpu.memory_space<vmem>> -> memref<1x64xf32, #tpu.memory_space<vmem>>
        %dma_start3A_719 = arith.constant 0 : i32
        %dma_start3A_720 = tpu.memref_slice %arg4[%squeeze3A_708, %dma_start3A_719] : memref<1000001x64xf32, #tpu.memory_space<hbm>> -> memref<1x64xf32, #tpu.memory_space<hbm>>
        tpu.enqueue_dma source(%dma_start3A_720 : memref<1x64xf32, #tpu.memory_space<hbm>>) target(%dma_start3A_718 : memref<1x64xf32, #tpu.memory_space<vmem>>) target_semaphore(%arg16 : memref<!tpu.dma_semaphore, #tpu.memory_space<semaphore_mem>>)
        %slice3A_721 = vector.extract_strided_slice %get3A_594 {offsets = [4], sizes = [1], strides = [1]} : vector<16xi32> to vector<1xi32>
        %squeeze3A_722 = vector.extract %slice3A_721[0] : i32 from vector<1xi32>
        %mul3A_723 = arith.constant 16 : i32
        %mul3A_724 = arith.muli %rem3A_486, %mul3A_723 : i32
        %add3A_725 = arith.constant 4 : i32
        %add3A_726 = arith.addi %mul3A_724, %add3A_725 : i32
        %dma_start3A_727 = arith.constant 0 : i32
        %dma_start3A_728 = tpu.memref_slice %arg12[%add3A_726, %dma_start3A_727] : memref<32x64xf32, #tpu.memory_space<vmem>> -> memref<1x64xf32, #tpu.memory_space<vmem>>
        %dma_start3A_729 = arith.constant 0 : i32
        %dma_start3A_730 = tpu.memref_slice %arg5[%squeeze3A_722, %dma_start3A_729] : memref<1000001x64xf32, #tpu.memory_space<hbm>> -> memref<1x64xf32, #tpu.memory_space<hbm>>
        %dma_start3A_731 = arith.constant 0 : i32
        %dma_start3A_732 = tpu.memref_slice %arg12[%add3A_726, %dma_start3A_731] : memref<32x64xf32, #tpu.memory_space<vmem>> -> memref<1x64xf32, #tpu.memory_space<vmem>>
        %dma_start3A_733 = arith.constant 0 : i32
        %dma_start3A_734 = tpu.memref_slice %arg5[%squeeze3A_722, %dma_start3A_733] : memref<1000001x64xf32, #tpu.memory_space<hbm>> -> memref<1x64xf32, #tpu.memory_space<hbm>>
        tpu.enqueue_dma source(%dma_start3A_734 : memref<1x64xf32, #tpu.memory_space<hbm>>) target(%dma_start3A_732 : memref<1x64xf32, #tpu.memory_space<vmem>>) target_semaphore(%arg17 : memref<!tpu.dma_semaphore, #tpu.memory_space<semaphore_mem>>)
        %slice3A_735 = vector.extract_strided_slice %get3A_590 {offsets = [5], sizes = [1], strides = [1]} : vector<16xi32> to vector<1xi32>
        %squeeze3A_736 = vector.extract %slice3A_735[0] : i32 from vector<1xi32>
        %mul3A_737 = arith.constant 16 : i32
        %mul3A_738 = arith.muli %rem3A_486, %mul3A_737 : i32
        %add3A_739 = arith.constant 5 : i32
        %add3A_740 = arith.addi %mul3A_738, %add3A_739 : i32
        %dma_start3A_741 = arith.constant 0 : i32
        %dma_start3A_742 = tpu.memref_slice %arg11[%add3A_740, %dma_start3A_741] : memref<32x64xf32, #tpu.memory_space<vmem>> -> memref<1x64xf32, #tpu.memory_space<vmem>>
        %dma_start3A_743 = arith.constant 0 : i32
        %dma_start3A_744 = tpu.memref_slice %arg4[%squeeze3A_736, %dma_start3A_743] : memref<1000001x64xf32, #tpu.memory_space<hbm>> -> memref<1x64xf32, #tpu.memory_space<hbm>>
        %dma_start3A_745 = arith.constant 0 : i32
        %dma_start3A_746 = tpu.memref_slice %arg11[%add3A_740, %dma_start3A_745] : memref<32x64xf32, #tpu.memory_space<vmem>> -> memref<1x64xf32, #tpu.memory_space<vmem>>
        %dma_start3A_747 = arith.constant 0 : i32
        %dma_start3A_748 = tpu.memref_slice %arg4[%squeeze3A_736, %dma_start3A_747] : memref<1000001x64xf32, #tpu.memory_space<hbm>> -> memref<1x64xf32, #tpu.memory_space<hbm>>
        tpu.enqueue_dma source(%dma_start3A_748 : memref<1x64xf32, #tpu.memory_space<hbm>>) target(%dma_start3A_746 : memref<1x64xf32, #tpu.memory_space<vmem>>) target_semaphore(%arg16 : memref<!tpu.dma_semaphore, #tpu.memory_space<semaphore_mem>>)
        %slice3A_749 = vector.extract_strided_slice %get3A_594 {offsets = [5], sizes = [1], strides = [1]} : vector<16xi32> to vector<1xi32>
        %squeeze3A_750 = vector.extract %slice3A_749[0] : i32 from vector<1xi32>
        %mul3A_751 = arith.constant 16 : i32
        %mul3A_752 = arith.muli %rem3A_486, %mul3A_751 : i32
        %add3A_753 = arith.constant 5 : i32
        %add3A_754 = arith.addi %mul3A_752, %add3A_753 : i32
        %dma_start3A_755 = arith.constant 0 : i32
        %dma_start3A_756 = tpu.memref_slice %arg12[%add3A_754, %dma_start3A_755] : memref<32x64xf32, #tpu.memory_space<vmem>> -> memref<1x64xf32, #tpu.memory_space<vmem>>
        %dma_start3A_757 = arith.constant 0 : i32
        %dma_start3A_758 = tpu.memref_slice %arg5[%squeeze3A_750, %dma_start3A_757] : memref<1000001x64xf32, #tpu.memory_space<hbm>> -> memref<1x64xf32, #tpu.memory_space<hbm>>
        %dma_start3A_759 = arith.constant 0 : i32
        %dma_start3A_760 = tpu.memref_slice %arg12[%add3A_754, %dma_start3A_759] : memref<32x64xf32, #tpu.memory_space<vmem>> -> memref<1x64xf32, #tpu.memory_space<vmem>>
        %dma_start3A_761 = arith.constant 0 : i32
        %dma_start3A_762 = tpu.memref_slice %arg5[%squeeze3A_750, %dma_start3A_761] : memref<1000001x64xf32, #tpu.memory_space<hbm>> -> memref<1x64xf32, #tpu.memory_space<hbm>>
        tpu.enqueue_dma source(%dma_start3A_762 : memref<1x64xf32, #tpu.memory_space<hbm>>) target(%dma_start3A_760 : memref<1x64xf32, #tpu.memory_space<vmem>>) target_semaphore(%arg17 : memref<!tpu.dma_semaphore, #tpu.memory_space<semaphore_mem>>)
        %slice3A_763 = vector.extract_strided_slice %get3A_590 {offsets = [6], sizes = [1], strides = [1]} : vector<16xi32> to vector<1xi32>
        %squeeze3A_764 = vector.extract %slice3A_763[0] : i32 from vector<1xi32>
        %mul3A_765 = arith.constant 16 : i32
        %mul3A_766 = arith.muli %rem3A_486, %mul3A_765 : i32
        %add3A_767 = arith.constant 6 : i32
        %add3A_768 = arith.addi %mul3A_766, %add3A_767 : i32
        %dma_start3A_769 = arith.constant 0 : i32
        %dma_start3A_770 = tpu.memref_slice %arg11[%add3A_768, %dma_start3A_769] : memref<32x64xf32, #tpu.memory_space<vmem>> -> memref<1x64xf32, #tpu.memory_space<vmem>>
        %dma_start3A_771 = arith.constant 0 : i32
        %dma_start3A_772 = tpu.memref_slice %arg4[%squeeze3A_764, %dma_start3A_771] : memref<1000001x64xf32, #tpu.memory_space<hbm>> -> memref<1x64xf32, #tpu.memory_space<hbm>>
        %dma_start3A_773 = arith.constant 0 : i32
        %dma_start3A_774 = tpu.memref_slice %arg11[%add3A_768, %dma_start3A_773] : memref<32x64xf32, #tpu.memory_space<vmem>> -> memref<1x64xf32, #tpu.memory_space<vmem>>
        %dma_start3A_775 = arith.constant 0 : i32
        %dma_start3A_776 = tpu.memref_slice %arg4[%squeeze3A_764, %dma_start3A_775] : memref<1000001x64xf32, #tpu.memory_space<hbm>> -> memref<1x64xf32, #tpu.memory_space<hbm>>
        tpu.enqueue_dma source(%dma_start3A_776 : memref<1x64xf32, #tpu.memory_space<hbm>>) target(%dma_start3A_774 : memref<1x64xf32, #tpu.memory_space<vmem>>) target_semaphore(%arg16 : memref<!tpu.dma_semaphore, #tpu.memory_space<semaphore_mem>>)
        %slice3A_777 = vector.extract_strided_slice %get3A_594 {offsets = [6], sizes = [1], strides = [1]} : vector<16xi32> to vector<1xi32>
        %squeeze3A_778 = vector.extract %slice3A_777[0] : i32 from vector<1xi32>
        %mul3A_779 = arith.constant 16 : i32
        %mul3A_780 = arith.muli %rem3A_486, %mul3A_779 : i32
        %add3A_781 = arith.constant 6 : i32
        %add3A_782 = arith.addi %mul3A_780, %add3A_781 : i32
        %dma_start3A_783 = arith.constant 0 : i32
        %dma_start3A_784 = tpu.memref_slice %arg12[%add3A_782, %dma_start3A_783] : memref<32x64xf32, #tpu.memory_space<vmem>> -> memref<1x64xf32, #tpu.memory_space<vmem>>
        %dma_start3A_785 = arith.constant 0 : i32
        %dma_start3A_786 = tpu.memref_slice %arg5[%squeeze3A_778, %dma_start3A_785] : memref<1000001x64xf32, #tpu.memory_space<hbm>> -> memref<1x64xf32, #tpu.memory_space<hbm>>
        %dma_start3A_787 = arith.constant 0 : i32
        %dma_start3A_788 = tpu.memref_slice %arg12[%add3A_782, %dma_start3A_787] : memref<32x64xf32, #tpu.memory_space<vmem>> -> memref<1x64xf32, #tpu.memory_space<vmem>>
        %dma_start3A_789 = arith.constant 0 : i32
        %dma_start3A_790 = tpu.memref_slice %arg5[%squeeze3A_778, %dma_start3A_789] : memref<1000001x64xf32, #tpu.memory_space<hbm>> -> memref<1x64xf32, #tpu.memory_space<hbm>>
        tpu.enqueue_dma source(%dma_start3A_790 : memref<1x64xf32, #tpu.memory_space<hbm>>) target(%dma_start3A_788 : memref<1x64xf32, #tpu.memory_space<vmem>>) target_semaphore(%arg17 : memref<!tpu.dma_semaphore, #tpu.memory_space<semaphore_mem>>)
        %slice3A_791 = vector.extract_strided_slice %get3A_590 {offsets = [7], sizes = [1], strides = [1]} : vector<16xi32> to vector<1xi32>
        %squeeze3A_792 = vector.extract %slice3A_791[0] : i32 from vector<1xi32>
        %mul3A_793 = arith.constant 16 : i32
        %mul3A_794 = arith.muli %rem3A_486, %mul3A_793 : i32
        %add3A_795 = arith.constant 7 : i32
        %add3A_796 = arith.addi %mul3A_794, %add3A_795 : i32
        %dma_start3A_797 = arith.constant 0 : i32
        %dma_start3A_798 = tpu.memref_slice %arg11[%add3A_796, %dma_start3A_797] : memref<32x64xf32, #tpu.memory_space<vmem>> -> memref<1x64xf32, #tpu.memory_space<vmem>>
        %dma_start3A_799 = arith.constant 0 : i32
        %dma_start3A_800 = tpu.memref_slice %arg4[%squeeze3A_792, %dma_start3A_799] : memref<1000001x64xf32, #tpu.memory_space<hbm>> -> memref<1x64xf32, #tpu.memory_space<hbm>>
        %dma_start3A_801 = arith.constant 0 : i32
        %dma_start3A_802 = tpu.memref_slice %arg11[%add3A_796, %dma_start3A_801] : memref<32x64xf32, #tpu.memory_space<vmem>> -> memref<1x64xf32, #tpu.memory_space<vmem>>
        %dma_start3A_803 = arith.constant 0 : i32
        %dma_start3A_804 = tpu.memref_slice %arg4[%squeeze3A_792, %dma_start3A_803] : memref<1000001x64xf32, #tpu.memory_space<hbm>> -> memref<1x64xf32, #tpu.memory_space<hbm>>
        tpu.enqueue_dma source(%dma_start3A_804 : memref<1x64xf32, #tpu.memory_space<hbm>>) target(%dma_start3A_802 : memref<1x64xf32, #tpu.memory_space<vmem>>) target_semaphore(%arg16 : memref<!tpu.dma_semaphore, #tpu.memory_space<semaphore_mem>>)
        %slice3A_805 = vector.extract_strided_slice %get3A_594 {offsets = [7], sizes = [1], strides = [1]} : vector<16xi32> to vector<1xi32>
        %squeeze3A_806 = vector.extract %slice3A_805[0] : i32 from vector<1xi32>
        %mul3A_807 = arith.constant 16 : i32
        %mul3A_808 = arith.muli %rem3A_486, %mul3A_807 : i32
        %add3A_809 = arith.constant 7 : i32
        %add3A_810 = arith.addi %mul3A_808, %add3A_809 : i32
        %dma_start3A_811 = arith.constant 0 : i32
        %dma_start3A_812 = tpu.memref_slice %arg12[%add3A_810, %dma_start3A_811] : memref<32x64xf32, #tpu.memory_space<vmem>> -> memref<1x64xf32, #tpu.memory_space<vmem>>
        %dma_start3A_813 = arith.constant 0 : i32
        %dma_start3A_814 = tpu.memref_slice %arg5[%squeeze3A_806, %dma_start3A_813] : memref<1000001x64xf32, #tpu.memory_space<hbm>> -> memref<1x64xf32, #tpu.memory_space<hbm>>
        %dma_start3A_815 = arith.constant 0 : i32
        %dma_start3A_816 = tpu.memref_slice %arg12[%add3A_810, %dma_start3A_815] : memref<32x64xf32, #tpu.memory_space<vmem>> -> memref<1x64xf32, #tpu.memory_space<vmem>>
        %dma_start3A_817 = arith.constant 0 : i32
        %dma_start3A_818 = tpu.memref_slice %arg5[%squeeze3A_806, %dma_start3A_817] : memref<1000001x64xf32, #tpu.memory_space<hbm>> -> memref<1x64xf32, #tpu.memory_space<hbm>>
        tpu.enqueue_dma source(%dma_start3A_818 : memref<1x64xf32, #tpu.memory_space<hbm>>) target(%dma_start3A_816 : memref<1x64xf32, #tpu.memory_space<vmem>>) target_semaphore(%arg17 : memref<!tpu.dma_semaphore, #tpu.memory_space<semaphore_mem>>)
        %slice3A_819 = vector.extract_strided_slice %get3A_590 {offsets = [8], sizes = [1], strides = [1]} : vector<16xi32> to vector<1xi32>
        %squeeze3A_820 = vector.extract %slice3A_819[0] : i32 from vector<1xi32>
        %mul3A_821 = arith.constant 16 : i32
        %mul3A_822 = arith.muli %rem3A_486, %mul3A_821 : i32
        %add3A_823 = arith.constant 8 : i32
        %add3A_824 = arith.addi %mul3A_822, %add3A_823 : i32
        %dma_start3A_825 = arith.constant 0 : i32
        %dma_start3A_826 = tpu.memref_slice %arg11[%add3A_824, %dma_start3A_825] : memref<32x64xf32, #tpu.memory_space<vmem>> -> memref<1x64xf32, #tpu.memory_space<vmem>>
        %dma_start3A_827 = arith.constant 0 : i32
        %dma_start3A_828 = tpu.memref_slice %arg4[%squeeze3A_820, %dma_start3A_827] : memref<1000001x64xf32, #tpu.memory_space<hbm>> -> memref<1x64xf32, #tpu.memory_space<hbm>>
        %dma_start3A_829 = arith.constant 0 : i32
        %dma_start3A_830 = tpu.memref_slice %arg11[%add3A_824, %dma_start3A_829] : memref<32x64xf32, #tpu.memory_space<vmem>> -> memref<1x64xf32, #tpu.memory_space<vmem>>
        %dma_start3A_831 = arith.constant 0 : i32
        %dma_start3A_832 = tpu.memref_slice %arg4[%squeeze3A_820, %dma_start3A_831] : memref<1000001x64xf32, #tpu.memory_space<hbm>> -> memref<1x64xf32, #tpu.memory_space<hbm>>
        tpu.enqueue_dma source(%dma_start3A_832 : memref<1x64xf32, #tpu.memory_space<hbm>>) target(%dma_start3A_830 : memref<1x64xf32, #tpu.memory_space<vmem>>) target_semaphore(%arg16 : memref<!tpu.dma_semaphore, #tpu.memory_space<semaphore_mem>>)
        %slice3A_833 = vector.extract_strided_slice %get3A_594 {offsets = [8], sizes = [1], strides = [1]} : vector<16xi32> to vector<1xi32>
        %squeeze3A_834 = vector.extract %slice3A_833[0] : i32 from vector<1xi32>
        %mul3A_835 = arith.constant 16 : i32
        %mul3A_836 = arith.muli %rem3A_486, %mul3A_835 : i32
        %add3A_837 = arith.constant 8 : i32
        %add3A_838 = arith.addi %mul3A_836, %add3A_837 : i32
        %dma_start3A_839 = arith.constant 0 : i32
        %dma_start3A_840 = tpu.memref_slice %arg12[%add3A_838, %dma_start3A_839] : memref<32x64xf32, #tpu.memory_space<vmem>> -> memref<1x64xf32, #tpu.memory_space<vmem>>
        %dma_start3A_841 = arith.constant 0 : i32
        %dma_start3A_842 = tpu.memref_slice %arg5[%squeeze3A_834, %dma_start3A_841] : memref<1000001x64xf32, #tpu.memory_space<hbm>> -> memref<1x64xf32, #tpu.memory_space<hbm>>
        %dma_start3A_843 = arith.constant 0 : i32
        %dma_start3A_844 = tpu.memref_slice %arg12[%add3A_838, %dma_start3A_843] : memref<32x64xf32, #tpu.memory_space<vmem>> -> memref<1x64xf32, #tpu.memory_space<vmem>>
        %dma_start3A_845 = arith.constant 0 : i32
        %dma_start3A_846 = tpu.memref_slice %arg5[%squeeze3A_834, %dma_start3A_845] : memref<1000001x64xf32, #tpu.memory_space<hbm>> -> memref<1x64xf32, #tpu.memory_space<hbm>>
        tpu.enqueue_dma source(%dma_start3A_846 : memref<1x64xf32, #tpu.memory_space<hbm>>) target(%dma_start3A_844 : memref<1x64xf32, #tpu.memory_space<vmem>>) target_semaphore(%arg17 : memref<!tpu.dma_semaphore, #tpu.memory_space<semaphore_mem>>)
        %slice3A_847 = vector.extract_strided_slice %get3A_590 {offsets = [9], sizes = [1], strides = [1]} : vector<16xi32> to vector<1xi32>
        %squeeze3A_848 = vector.extract %slice3A_847[0] : i32 from vector<1xi32>
        %mul3A_849 = arith.constant 16 : i32
        %mul3A_850 = arith.muli %rem3A_486, %mul3A_849 : i32
        %add3A_851 = arith.constant 9 : i32
        %add3A_852 = arith.addi %mul3A_850, %add3A_851 : i32
        %dma_start3A_853 = arith.constant 0 : i32
        %dma_start3A_854 = tpu.memref_slice %arg11[%add3A_852, %dma_start3A_853] : memref<32x64xf32, #tpu.memory_space<vmem>> -> memref<1x64xf32, #tpu.memory_space<vmem>>
        %dma_start3A_855 = arith.constant 0 : i32
        %dma_start3A_856 = tpu.memref_slice %arg4[%squeeze3A_848, %dma_start3A_855] : memref<1000001x64xf32, #tpu.memory_space<hbm>> -> memref<1x64xf32, #tpu.memory_space<hbm>>
        %dma_start3A_857 = arith.constant 0 : i32
        %dma_start3A_858 = tpu.memref_slice %arg11[%add3A_852, %dma_start3A_857] : memref<32x64xf32, #tpu.memory_space<vmem>> -> memref<1x64xf32, #tpu.memory_space<vmem>>
        %dma_start3A_859 = arith.constant 0 : i32
        %dma_start3A_860 = tpu.memref_slice %arg4[%squeeze3A_848, %dma_start3A_859] : memref<1000001x64xf32, #tpu.memory_space<hbm>> -> memref<1x64xf32, #tpu.memory_space<hbm>>
        tpu.enqueue_dma source(%dma_start3A_860 : memref<1x64xf32, #tpu.memory_space<hbm>>) target(%dma_start3A_858 : memref<1x64xf32, #tpu.memory_space<vmem>>) target_semaphore(%arg16 : memref<!tpu.dma_semaphore, #tpu.memory_space<semaphore_mem>>)
        %slice3A_861 = vector.extract_strided_slice %get3A_594 {offsets = [9], sizes = [1], strides = [1]} : vector<16xi32> to vector<1xi32>
        %squeeze3A_862 = vector.extract %slice3A_861[0] : i32 from vector<1xi32>
        %mul3A_863 = arith.constant 16 : i32
        %mul3A_864 = arith.muli %rem3A_486, %mul3A_863 : i32
        %add3A_865 = arith.constant 9 : i32
        %add3A_866 = arith.addi %mul3A_864, %add3A_865 : i32
        %dma_start3A_867 = arith.constant 0 : i32
        %dma_start3A_868 = tpu.memref_slice %arg12[%add3A_866, %dma_start3A_867] : memref<32x64xf32, #tpu.memory_space<vmem>> -> memref<1x64xf32, #tpu.memory_space<vmem>>
        %dma_start3A_869 = arith.constant 0 : i32
        %dma_start3A_870 = tpu.memref_slice %arg5[%squeeze3A_862, %dma_start3A_869] : memref<1000001x64xf32, #tpu.memory_space<hbm>> -> memref<1x64xf32, #tpu.memory_space<hbm>>
        %dma_start3A_871 = arith.constant 0 : i32
        %dma_start3A_872 = tpu.memref_slice %arg12[%add3A_866, %dma_start3A_871] : memref<32x64xf32, #tpu.memory_space<vmem>> -> memref<1x64xf32, #tpu.memory_space<vmem>>
        %dma_start3A_873 = arith.constant 0 : i32
        %dma_start3A_874 = tpu.memref_slice %arg5[%squeeze3A_862, %dma_start3A_873] : memref<1000001x64xf32, #tpu.memory_space<hbm>> -> memref<1x64xf32, #tpu.memory_space<hbm>>
        tpu.enqueue_dma source(%dma_start3A_874 : memref<1x64xf32, #tpu.memory_space<hbm>>) target(%dma_start3A_872 : memref<1x64xf32, #tpu.memory_space<vmem>>) target_semaphore(%arg17 : memref<!tpu.dma_semaphore, #tpu.memory_space<semaphore_mem>>)
        %slice3A_875 = vector.extract_strided_slice %get3A_590 {offsets = [10], sizes = [1], strides = [1]} : vector<16xi32> to vector<1xi32>
        %squeeze3A_876 = vector.extract %slice3A_875[0] : i32 from vector<1xi32>
        %mul3A_877 = arith.constant 16 : i32
        %mul3A_878 = arith.muli %rem3A_486, %mul3A_877 : i32
        %add3A_879 = arith.constant 10 : i32
        %add3A_880 = arith.addi %mul3A_878, %add3A_879 : i32
        %dma_start3A_881 = arith.constant 0 : i32
        %dma_start3A_882 = tpu.memref_slice %arg11[%add3A_880, %dma_start3A_881] : memref<32x64xf32, #tpu.memory_space<vmem>> -> memref<1x64xf32, #tpu.memory_space<vmem>>
        %dma_start3A_883 = arith.constant 0 : i32
        %dma_start3A_884 = tpu.memref_slice %arg4[%squeeze3A_876, %dma_start3A_883] : memref<1000001x64xf32, #tpu.memory_space<hbm>> -> memref<1x64xf32, #tpu.memory_space<hbm>>
        %dma_start3A_885 = arith.constant 0 : i32
        %dma_start3A_886 = tpu.memref_slice %arg11[%add3A_880, %dma_start3A_885] : memref<32x64xf32, #tpu.memory_space<vmem>> -> memref<1x64xf32, #tpu.memory_space<vmem>>
        %dma_start3A_887 = arith.constant 0 : i32
        %dma_start3A_888 = tpu.memref_slice %arg4[%squeeze3A_876, %dma_start3A_887] : memref<1000001x64xf32, #tpu.memory_space<hbm>> -> memref<1x64xf32, #tpu.memory_space<hbm>>
        tpu.enqueue_dma source(%dma_start3A_888 : memref<1x64xf32, #tpu.memory_space<hbm>>) target(%dma_start3A_886 : memref<1x64xf32, #tpu.memory_space<vmem>>) target_semaphore(%arg16 : memref<!tpu.dma_semaphore, #tpu.memory_space<semaphore_mem>>)
        %slice3A_889 = vector.extract_strided_slice %get3A_594 {offsets = [10], sizes = [1], strides = [1]} : vector<16xi32> to vector<1xi32>
        %squeeze3A_890 = vector.extract %slice3A_889[0] : i32 from vector<1xi32>
        %mul3A_891 = arith.constant 16 : i32
        %mul3A_892 = arith.muli %rem3A_486, %mul3A_891 : i32
        %add3A_893 = arith.constant 10 : i32
        %add3A_894 = arith.addi %mul3A_892, %add3A_893 : i32
        %dma_start3A_895 = arith.constant 0 : i32
        %dma_start3A_896 = tpu.memref_slice %arg12[%add3A_894, %dma_start3A_895] : memref<32x64xf32, #tpu.memory_space<vmem>> -> memref<1x64xf32, #tpu.memory_space<vmem>>
        %dma_start3A_897 = arith.constant 0 : i32
        %dma_start3A_898 = tpu.memref_slice %arg5[%squeeze3A_890, %dma_start3A_897] : memref<1000001x64xf32, #tpu.memory_space<hbm>> -> memref<1x64xf32, #tpu.memory_space<hbm>>
        %dma_start3A_899 = arith.constant 0 : i32
        %dma_start3A_900 = tpu.memref_slice %arg12[%add3A_894, %dma_start3A_899] : memref<32x64xf32, #tpu.memory_space<vmem>> -> memref<1x64xf32, #tpu.memory_space<vmem>>
        %dma_start3A_901 = arith.constant 0 : i32
        %dma_start3A_902 = tpu.memref_slice %arg5[%squeeze3A_890, %dma_start3A_901] : memref<1000001x64xf32, #tpu.memory_space<hbm>> -> memref<1x64xf32, #tpu.memory_space<hbm>>
        tpu.enqueue_dma source(%dma_start3A_902 : memref<1x64xf32, #tpu.memory_space<hbm>>) target(%dma_start3A_900 : memref<1x64xf32, #tpu.memory_space<vmem>>) target_semaphore(%arg17 : memref<!tpu.dma_semaphore, #tpu.memory_space<semaphore_mem>>)
        %slice3A_903 = vector.extract_strided_slice %get3A_590 {offsets = [11], sizes = [1], strides = [1]} : vector<16xi32> to vector<1xi32>
        %squeeze3A_904 = vector.extract %slice3A_903[0] : i32 from vector<1xi32>
        %mul3A_905 = arith.constant 16 : i32
        %mul3A_906 = arith.muli %rem3A_486, %mul3A_905 : i32
        %add3A_907 = arith.constant 11 : i32
        %add3A_908 = arith.addi %mul3A_906, %add3A_907 : i32
        %dma_start3A_909 = arith.constant 0 : i32
        %dma_start3A_910 = tpu.memref_slice %arg11[%add3A_908, %dma_start3A_909] : memref<32x64xf32, #tpu.memory_space<vmem>> -> memref<1x64xf32, #tpu.memory_space<vmem>>
        %dma_start3A_911 = arith.constant 0 : i32
        %dma_start3A_912 = tpu.memref_slice %arg4[%squeeze3A_904, %dma_start3A_911] : memref<1000001x64xf32, #tpu.memory_space<hbm>> -> memref<1x64xf32, #tpu.memory_space<hbm>>
        %dma_start3A_913 = arith.constant 0 : i32
        %dma_start3A_914 = tpu.memref_slice %arg11[%add3A_908, %dma_start3A_913] : memref<32x64xf32, #tpu.memory_space<vmem>> -> memref<1x64xf32, #tpu.memory_space<vmem>>
        %dma_start3A_915 = arith.constant 0 : i32
        %dma_start3A_916 = tpu.memref_slice %arg4[%squeeze3A_904, %dma_start3A_915] : memref<1000001x64xf32, #tpu.memory_space<hbm>> -> memref<1x64xf32, #tpu.memory_space<hbm>>
        tpu.enqueue_dma source(%dma_start3A_916 : memref<1x64xf32, #tpu.memory_space<hbm>>) target(%dma_start3A_914 : memref<1x64xf32, #tpu.memory_space<vmem>>) target_semaphore(%arg16 : memref<!tpu.dma_semaphore, #tpu.memory_space<semaphore_mem>>)
        %slice3A_917 = vector.extract_strided_slice %get3A_594 {offsets = [11], sizes = [1], strides = [1]} : vector<16xi32> to vector<1xi32>
        %squeeze3A_918 = vector.extract %slice3A_917[0] : i32 from vector<1xi32>
        %mul3A_919 = arith.constant 16 : i32
        %mul3A_920 = arith.muli %rem3A_486, %mul3A_919 : i32
        %add3A_921 = arith.constant 11 : i32
        %add3A_922 = arith.addi %mul3A_920, %add3A_921 : i32
        %dma_start3A_923 = arith.constant 0 : i32
        %dma_start3A_924 = tpu.memref_slice %arg12[%add3A_922, %dma_start3A_923] : memref<32x64xf32, #tpu.memory_space<vmem>> -> memref<1x64xf32, #tpu.memory_space<vmem>>
        %dma_start3A_925 = arith.constant 0 : i32
        %dma_start3A_926 = tpu.memref_slice %arg5[%squeeze3A_918, %dma_start3A_925] : memref<1000001x64xf32, #tpu.memory_space<hbm>> -> memref<1x64xf32, #tpu.memory_space<hbm>>
        %dma_start3A_927 = arith.constant 0 : i32
        %dma_start3A_928 = tpu.memref_slice %arg12[%add3A_922, %dma_start3A_927] : memref<32x64xf32, #tpu.memory_space<vmem>> -> memref<1x64xf32, #tpu.memory_space<vmem>>
        %dma_start3A_929 = arith.constant 0 : i32
        %dma_start3A_930 = tpu.memref_slice %arg5[%squeeze3A_918, %dma_start3A_929] : memref<1000001x64xf32, #tpu.memory_space<hbm>> -> memref<1x64xf32, #tpu.memory_space<hbm>>
        tpu.enqueue_dma source(%dma_start3A_930 : memref<1x64xf32, #tpu.memory_space<hbm>>) target(%dma_start3A_928 : memref<1x64xf32, #tpu.memory_space<vmem>>) target_semaphore(%arg17 : memref<!tpu.dma_semaphore, #tpu.memory_space<semaphore_mem>>)
        %slice3A_931 = vector.extract_strided_slice %get3A_590 {offsets = [12], sizes = [1], strides = [1]} : vector<16xi32> to vector<1xi32>
        %squeeze3A_932 = vector.extract %slice3A_931[0] : i32 from vector<1xi32>
        %mul3A_933 = arith.constant 16 : i32
        %mul3A_934 = arith.muli %rem3A_486, %mul3A_933 : i32
        %add3A_935 = arith.constant 12 : i32
        %add3A_936 = arith.addi %mul3A_934, %add3A_935 : i32
        %dma_start3A_937 = arith.constant 0 : i32
        %dma_start3A_938 = tpu.memref_slice %arg11[%add3A_936, %dma_start3A_937] : memref<32x64xf32, #tpu.memory_space<vmem>> -> memref<1x64xf32, #tpu.memory_space<vmem>>
        %dma_start3A_939 = arith.constant 0 : i32
        %dma_start3A_940 = tpu.memref_slice %arg4[%squeeze3A_932, %dma_start3A_939] : memref<1000001x64xf32, #tpu.memory_space<hbm>> -> memref<1x64xf32, #tpu.memory_space<hbm>>
        %dma_start3A_941 = arith.constant 0 : i32
        %dma_start3A_942 = tpu.memref_slice %arg11[%add3A_936, %dma_start3A_941] : memref<32x64xf32, #tpu.memory_space<vmem>> -> memref<1x64xf32, #tpu.memory_space<vmem>>
        %dma_start3A_943 = arith.constant 0 : i32
        %dma_start3A_944 = tpu.memref_slice %arg4[%squeeze3A_932, %dma_start3A_943] : memref<1000001x64xf32, #tpu.memory_space<hbm>> -> memref<1x64xf32, #tpu.memory_space<hbm>>
        tpu.enqueue_dma source(%dma_start3A_944 : memref<1x64xf32, #tpu.memory_space<hbm>>) target(%dma_start3A_942 : memref<1x64xf32, #tpu.memory_space<vmem>>) target_semaphore(%arg16 : memref<!tpu.dma_semaphore, #tpu.memory_space<semaphore_mem>>)
        %slice3A_945 = vector.extract_strided_slice %get3A_594 {offsets = [12], sizes = [1], strides = [1]} : vector<16xi32> to vector<1xi32>
        %squeeze3A_946 = vector.extract %slice3A_945[0] : i32 from vector<1xi32>
        %mul3A_947 = arith.constant 16 : i32
        %mul3A_948 = arith.muli %rem3A_486, %mul3A_947 : i32
        %add3A_949 = arith.constant 12 : i32
        %add3A_950 = arith.addi %mul3A_948, %add3A_949 : i32
        %dma_start3A_951 = arith.constant 0 : i32
        %dma_start3A_952 = tpu.memref_slice %arg12[%add3A_950, %dma_start3A_951] : memref<32x64xf32, #tpu.memory_space<vmem>> -> memref<1x64xf32, #tpu.memory_space<vmem>>
        %dma_start3A_953 = arith.constant 0 : i32
        %dma_start3A_954 = tpu.memref_slice %arg5[%squeeze3A_946, %dma_start3A_953] : memref<1000001x64xf32, #tpu.memory_space<hbm>> -> memref<1x64xf32, #tpu.memory_space<hbm>>
        %dma_start3A_955 = arith.constant 0 : i32
        %dma_start3A_956 = tpu.memref_slice %arg12[%add3A_950, %dma_start3A_955] : memref<32x64xf32, #tpu.memory_space<vmem>> -> memref<1x64xf32, #tpu.memory_space<vmem>>
        %dma_start3A_957 = arith.constant 0 : i32
        %dma_start3A_958 = tpu.memref_slice %arg5[%squeeze3A_946, %dma_start3A_957] : memref<1000001x64xf32, #tpu.memory_space<hbm>> -> memref<1x64xf32, #tpu.memory_space<hbm>>
        tpu.enqueue_dma source(%dma_start3A_958 : memref<1x64xf32, #tpu.memory_space<hbm>>) target(%dma_start3A_956 : memref<1x64xf32, #tpu.memory_space<vmem>>) target_semaphore(%arg17 : memref<!tpu.dma_semaphore, #tpu.memory_space<semaphore_mem>>)
        %slice3A_959 = vector.extract_strided_slice %get3A_590 {offsets = [13], sizes = [1], strides = [1]} : vector<16xi32> to vector<1xi32>
        %squeeze3A_960 = vector.extract %slice3A_959[0] : i32 from vector<1xi32>
        %mul3A_961 = arith.constant 16 : i32
        %mul3A_962 = arith.muli %rem3A_486, %mul3A_961 : i32
        %add3A_963 = arith.constant 13 : i32
        %add3A_964 = arith.addi %mul3A_962, %add3A_963 : i32
        %dma_start3A_965 = arith.constant 0 : i32
        %dma_start3A_966 = tpu.memref_slice %arg11[%add3A_964, %dma_start3A_965] : memref<32x64xf32, #tpu.memory_space<vmem>> -> memref<1x64xf32, #tpu.memory_space<vmem>>
        %dma_start3A_967 = arith.constant 0 : i32
        %dma_start3A_968 = tpu.memref_slice %arg4[%squeeze3A_960, %dma_start3A_967] : memref<1000001x64xf32, #tpu.memory_space<hbm>> -> memref<1x64xf32, #tpu.memory_space<hbm>>
        %dma_start3A_969 = arith.constant 0 : i32
        %dma_start3A_970 = tpu.memref_slice %arg11[%add3A_964, %dma_start3A_969] : memref<32x64xf32, #tpu.memory_space<vmem>> -> memref<1x64xf32, #tpu.memory_space<vmem>>
        %dma_start3A_971 = arith.constant 0 : i32
        %dma_start3A_972 = tpu.memref_slice %arg4[%squeeze3A_960, %dma_start3A_971] : memref<1000001x64xf32, #tpu.memory_space<hbm>> -> memref<1x64xf32, #tpu.memory_space<hbm>>
        tpu.enqueue_dma source(%dma_start3A_972 : memref<1x64xf32, #tpu.memory_space<hbm>>) target(%dma_start3A_970 : memref<1x64xf32, #tpu.memory_space<vmem>>) target_semaphore(%arg16 : memref<!tpu.dma_semaphore, #tpu.memory_space<semaphore_mem>>)
        %slice3A_973 = vector.extract_strided_slice %get3A_594 {offsets = [13], sizes = [1], strides = [1]} : vector<16xi32> to vector<1xi32>
        %squeeze3A_974 = vector.extract %slice3A_973[0] : i32 from vector<1xi32>
        %mul3A_975 = arith.constant 16 : i32
        %mul3A_976 = arith.muli %rem3A_486, %mul3A_975 : i32
        %add3A_977 = arith.constant 13 : i32
        %add3A_978 = arith.addi %mul3A_976, %add3A_977 : i32
        %dma_start3A_979 = arith.constant 0 : i32
        %dma_start3A_980 = tpu.memref_slice %arg12[%add3A_978, %dma_start3A_979] : memref<32x64xf32, #tpu.memory_space<vmem>> -> memref<1x64xf32, #tpu.memory_space<vmem>>
        %dma_start3A_981 = arith.constant 0 : i32
        %dma_start3A_982 = tpu.memref_slice %arg5[%squeeze3A_974, %dma_start3A_981] : memref<1000001x64xf32, #tpu.memory_space<hbm>> -> memref<1x64xf32, #tpu.memory_space<hbm>>
        %dma_start3A_983 = arith.constant 0 : i32
        %dma_start3A_984 = tpu.memref_slice %arg12[%add3A_978, %dma_start3A_983] : memref<32x64xf32, #tpu.memory_space<vmem>> -> memref<1x64xf32, #tpu.memory_space<vmem>>
        %dma_start3A_985 = arith.constant 0 : i32
        %dma_start3A_986 = tpu.memref_slice %arg5[%squeeze3A_974, %dma_start3A_985] : memref<1000001x64xf32, #tpu.memory_space<hbm>> -> memref<1x64xf32, #tpu.memory_space<hbm>>
        tpu.enqueue_dma source(%dma_start3A_986 : memref<1x64xf32, #tpu.memory_space<hbm>>) target(%dma_start3A_984 : memref<1x64xf32, #tpu.memory_space<vmem>>) target_semaphore(%arg17 : memref<!tpu.dma_semaphore, #tpu.memory_space<semaphore_mem>>)
        %slice3A_987 = vector.extract_strided_slice %get3A_590 {offsets = [14], sizes = [1], strides = [1]} : vector<16xi32> to vector<1xi32>
        %squeeze3A_988 = vector.extract %slice3A_987[0] : i32 from vector<1xi32>
        %mul3A_989 = arith.constant 16 : i32
        %mul3A_990 = arith.muli %rem3A_486, %mul3A_989 : i32
        %add3A_991 = arith.constant 14 : i32
        %add3A_992 = arith.addi %mul3A_990, %add3A_991 : i32
        %dma_start3A_993 = arith.constant 0 : i32
        %dma_start3A_994 = tpu.memref_slice %arg11[%add3A_992, %dma_start3A_993] : memref<32x64xf32, #tpu.memory_space<vmem>> -> memref<1x64xf32, #tpu.memory_space<vmem>>
        %dma_start3A_995 = arith.constant 0 : i32
        %dma_start3A_996 = tpu.memref_slice %arg4[%squeeze3A_988, %dma_start3A_995] : memref<1000001x64xf32, #tpu.memory_space<hbm>> -> memref<1x64xf32, #tpu.memory_space<hbm>>
        %dma_start3A_997 = arith.constant 0 : i32
        %dma_start3A_998 = tpu.memref_slice %arg11[%add3A_992, %dma_start3A_997] : memref<32x64xf32, #tpu.memory_space<vmem>> -> memref<1x64xf32, #tpu.memory_space<vmem>>
        %dma_start3A_999 = arith.constant 0 : i32
        %dma_start3A_1000 = tpu.memref_slice %arg4[%squeeze3A_988, %dma_start3A_999] : memref<1000001x64xf32, #tpu.memory_space<hbm>> -> memref<1x64xf32, #tpu.memory_space<hbm>>
        tpu.enqueue_dma source(%dma_start3A_1000 : memref<1x64xf32, #tpu.memory_space<hbm>>) target(%dma_start3A_998 : memref<1x64xf32, #tpu.memory_space<vmem>>) target_semaphore(%arg16 : memref<!tpu.dma_semaphore, #tpu.memory_space<semaphore_mem>>)
        %slice3A_1001 = vector.extract_strided_slice %get3A_594 {offsets = [14], sizes = [1], strides = [1]} : vector<16xi32> to vector<1xi32>
        %squeeze3A_1002 = vector.extract %slice3A_1001[0] : i32 from vector<1xi32>
        %mul3A_1003 = arith.constant 16 : i32
        %mul3A_1004 = arith.muli %rem3A_486, %mul3A_1003 : i32
        %add3A_1005 = arith.constant 14 : i32
        %add3A_1006 = arith.addi %mul3A_1004, %add3A_1005 : i32
        %dma_start3A_1007 = arith.constant 0 : i32
        %dma_start3A_1008 = tpu.memref_slice %arg12[%add3A_1006, %dma_start3A_1007] : memref<32x64xf32, #tpu.memory_space<vmem>> -> memref<1x64xf32, #tpu.memory_space<vmem>>
        %dma_start3A_1009 = arith.constant 0 : i32
        %dma_start3A_1010 = tpu.memref_slice %arg5[%squeeze3A_1002, %dma_start3A_1009] : memref<1000001x64xf32, #tpu.memory_space<hbm>> -> memref<1x64xf32, #tpu.memory_space<hbm>>
        %dma_start3A_1011 = arith.constant 0 : i32
        %dma_start3A_1012 = tpu.memref_slice %arg12[%add3A_1006, %dma_start3A_1011] : memref<32x64xf32, #tpu.memory_space<vmem>> -> memref<1x64xf32, #tpu.memory_space<vmem>>
        %dma_start3A_1013 = arith.constant 0 : i32
        %dma_start3A_1014 = tpu.memref_slice %arg5[%squeeze3A_1002, %dma_start3A_1013] : memref<1000001x64xf32, #tpu.memory_space<hbm>> -> memref<1x64xf32, #tpu.memory_space<hbm>>
        tpu.enqueue_dma source(%dma_start3A_1014 : memref<1x64xf32, #tpu.memory_space<hbm>>) target(%dma_start3A_1012 : memref<1x64xf32, #tpu.memory_space<vmem>>) target_semaphore(%arg17 : memref<!tpu.dma_semaphore, #tpu.memory_space<semaphore_mem>>)
        %slice3A_1015 = vector.extract_strided_slice %get3A_590 {offsets = [15], sizes = [1], strides = [1]} : vector<16xi32> to vector<1xi32>
        %squeeze3A_1016 = vector.extract %slice3A_1015[0] : i32 from vector<1xi32>
        %mul3A_1017 = arith.constant 16 : i32
        %mul3A_1018 = arith.muli %rem3A_486, %mul3A_1017 : i32
        %add3A_1019 = arith.constant 15 : i32
        %add3A_1020 = arith.addi %mul3A_1018, %add3A_1019 : i32
        %dma_start3A_1021 = arith.constant 0 : i32
        %dma_start3A_1022 = tpu.memref_slice %arg11[%add3A_1020, %dma_start3A_1021] : memref<32x64xf32, #tpu.memory_space<vmem>> -> memref<1x64xf32, #tpu.memory_space<vmem>>
        %dma_start3A_1023 = arith.constant 0 : i32
        %dma_start3A_1024 = tpu.memref_slice %arg4[%squeeze3A_1016, %dma_start3A_1023] : memref<1000001x64xf32, #tpu.memory_space<hbm>> -> memref<1x64xf32, #tpu.memory_space<hbm>>
        %dma_start3A_1025 = arith.constant 0 : i32
        %dma_start3A_1026 = tpu.memref_slice %arg11[%add3A_1020, %dma_start3A_1025] : memref<32x64xf32, #tpu.memory_space<vmem>> -> memref<1x64xf32, #tpu.memory_space<vmem>>
        %dma_start3A_1027 = arith.constant 0 : i32
        %dma_start3A_1028 = tpu.memref_slice %arg4[%squeeze3A_1016, %dma_start3A_1027] : memref<1000001x64xf32, #tpu.memory_space<hbm>> -> memref<1x64xf32, #tpu.memory_space<hbm>>
        tpu.enqueue_dma source(%dma_start3A_1028 : memref<1x64xf32, #tpu.memory_space<hbm>>) target(%dma_start3A_1026 : memref<1x64xf32, #tpu.memory_space<vmem>>) target_semaphore(%arg16 : memref<!tpu.dma_semaphore, #tpu.memory_space<semaphore_mem>>)
        %slice3A_1029 = vector.extract_strided_slice %get3A_594 {offsets = [15], sizes = [1], strides = [1]} : vector<16xi32> to vector<1xi32>
        %squeeze3A_1030 = vector.extract %slice3A_1029[0] : i32 from vector<1xi32>
        %mul3A_1031 = arith.constant 16 : i32
        %mul3A_1032 = arith.muli %rem3A_486, %mul3A_1031 : i32
        %add3A_1033 = arith.constant 15 : i32
        %add3A_1034 = arith.addi %mul3A_1032, %add3A_1033 : i32
        %dma_start3A_1035 = arith.constant 0 : i32
        %dma_start3A_1036 = tpu.memref_slice %arg12[%add3A_1034, %dma_start3A_1035] : memref<32x64xf32, #tpu.memory_space<vmem>> -> memref<1x64xf32, #tpu.memory_space<vmem>>
        %dma_start3A_1037 = arith.constant 0 : i32
        %dma_start3A_1038 = tpu.memref_slice %arg5[%squeeze3A_1030, %dma_start3A_1037] : memref<1000001x64xf32, #tpu.memory_space<hbm>> -> memref<1x64xf32, #tpu.memory_space<hbm>>
        %dma_start3A_1039 = arith.constant 0 : i32
        %dma_start3A_1040 = tpu.memref_slice %arg12[%add3A_1034, %dma_start3A_1039] : memref<32x64xf32, #tpu.memory_space<vmem>> -> memref<1x64xf32, #tpu.memory_space<vmem>>
        %dma_start3A_1041 = arith.constant 0 : i32
        %dma_start3A_1042 = tpu.memref_slice %arg5[%squeeze3A_1030, %dma_start3A_1041] : memref<1000001x64xf32, #tpu.memory_space<hbm>> -> memref<1x64xf32, #tpu.memory_space<hbm>>
        tpu.enqueue_dma source(%dma_start3A_1042 : memref<1x64xf32, #tpu.memory_space<hbm>>) target(%dma_start3A_1040 : memref<1x64xf32, #tpu.memory_space<vmem>>) target_semaphore(%arg17 : memref<!tpu.dma_semaphore, #tpu.memory_space<semaphore_mem>>)
      } else {
      }
      %mul3A_491 = arith.constant 16 : i32
      %mul3A_492 = arith.muli %rem3A_482, %mul3A_491 : i32
      %dma_wait3A = arith.constant 0 : i32
      %dma_wait3A_493 = tpu.memref_slice %arg11[%mul3A_492, %dma_wait3A] : memref<32x64xf32, #tpu.memory_space<vmem>> -> memref<16x64xf32, #tpu.memory_space<vmem>>
      %dma_wait3A_494 = arith.constant 0 : i32
      %dma_wait3A_495 = arith.constant 0 : i32
      %dma_wait3A_496 = tpu.memref_slice %arg4[%dma_wait3A_494, %dma_wait3A_495] : memref<1000001x64xf32, #tpu.memory_space<hbm>> -> memref<16x64xf32, #tpu.memory_space<hbm>>
      %dma_wait3A_497 = arith.constant 0 : i32
      %dma_wait3A_498 = tpu.memref_slice %arg11[%mul3A_492, %dma_wait3A_497] : memref<32x64xf32, #tpu.memory_space<vmem>> -> memref<16x64xf32, #tpu.memory_space<vmem>>
      %dma_wait3A_499 = arith.constant 0 : i32
      %dma_wait3A_500 = arith.constant 0 : i32
      %dma_wait3A_501 = tpu.memref_slice %arg4[%dma_wait3A_499, %dma_wait3A_500] : memref<1000001x64xf32, #tpu.memory_space<hbm>> -> memref<16x64xf32, #tpu.memory_space<hbm>>
      tpu.wait_dma2 semaphore(%arg16 : memref<!tpu.dma_semaphore, #tpu.memory_space<semaphore_mem>>) src(%dma_wait3A_501 : memref<16x64xf32, #tpu.memory_space<hbm>>) dst(%dma_wait3A_498 : memref<16x64xf32, #tpu.memory_space<vmem>>)
      %mul3A_502 = arith.constant 16 : i32
      %mul3A_503 = arith.muli %rem3A_482, %mul3A_502 : i32
      %dma_wait3A_504 = arith.constant 0 : i32
      %dma_wait3A_505 = tpu.memref_slice %arg12[%mul3A_503, %dma_wait3A_504] : memref<32x64xf32, #tpu.memory_space<vmem>> -> memref<16x64xf32, #tpu.memory_space<vmem>>
      %dma_wait3A_506 = arith.constant 0 : i32
      %dma_wait3A_507 = arith.constant 0 : i32
      %dma_wait3A_508 = tpu.memref_slice %arg5[%dma_wait3A_506, %dma_wait3A_507] : memref<1000001x64xf32, #tpu.memory_space<hbm>> -> memref<16x64xf32, #tpu.memory_space<hbm>>
      %dma_wait3A_509 = arith.constant 0 : i32
      %dma_wait3A_510 = tpu.memref_slice %arg12[%mul3A_503, %dma_wait3A_509] : memref<32x64xf32, #tpu.memory_space<vmem>> -> memref<16x64xf32, #tpu.memory_space<vmem>>
      %dma_wait3A_511 = arith.constant 0 : i32
      %dma_wait3A_512 = arith.constant 0 : i32
      %dma_wait3A_513 = tpu.memref_slice %arg5[%dma_wait3A_511, %dma_wait3A_512] : memref<1000001x64xf32, #tpu.memory_space<hbm>> -> memref<16x64xf32, #tpu.memory_space<hbm>>
      tpu.wait_dma2 semaphore(%arg17 : memref<!tpu.dma_semaphore, #tpu.memory_space<semaphore_mem>>) src(%dma_wait3A_513 : memref<16x64xf32, #tpu.memory_space<hbm>>) dst(%dma_wait3A_510 : memref<16x64xf32, #tpu.memory_space<vmem>>)
      %broadcast_in_dim3A = arith.constant 0.000000e+00 : f32
      %broadcast_in_dim3A_514 = vector.broadcast %broadcast_in_dim3A : f32 to vector<16xf32>
      %scan3A_515 = arith.constant 0 : i32
      %scan3A_516 = arith.constant 64 : i32
      %scan3A_517 = arith.addi %scan3A_515, %scan3A_516 : i32
      %scan3A_518 = arith.constant 1 : i32
      %scan3A_519:2 = scf.for %scan3A_585 = %scan3A_515 to %scan3A_517 step %scan3A_518 iter_args(%scan3A_586 = %broadcast_in_dim3A_514, %scan3A_587 = %broadcast_in_dim3A_514) -> (vector<16xf32>, vector<16xf32>)  : i32 {
        %broadcast_in_dim3A_588 = vector.broadcast %scan3A_585 : i32 to vector<16xi32>
        %mul3A_589 = arith.constant 16 : i32
        %mul3A_590 = arith.muli %rem3A_482, %mul3A_589 : i32
        %add3A_591 = vector.broadcast %mul3A_590 : i32 to vector<16xi32>
        %add3A_592 = arith.addi %add3A_591, %iota3A : vector<16xi32>
        %gather3A = tpu.vector_load_idx %arg11[%add3A_592, %broadcast_in_dim3A_588] : memref<32x64xf32, #tpu.memory_space<vmem>>[vector<16xi32>, vector<16xi32>], vector<16xf32>,
        %gather3A_593 = tpu.vector_load_idx %arg12[%add3A_592, %broadcast_in_dim3A_588] : memref<32x64xf32, #tpu.memory_space<vmem>>[vector<16xi32>, vector<16xi32>], vector<16xf32>,
        %gather3A_594 = tpu.vector_load_idx %arg13[%broadcast_in_dim3A_588] : memref<128xf32, #tpu.memory_space<vmem>>[vector<16xi32>], vector<16xf32>,
        %add3A_595 = arith.constant 64 : i32
        %add3A_596 = vector.broadcast %add3A_595 : i32 to vector<16xi32>
        %add3A_597 = arith.addi %broadcast_in_dim3A_588, %add3A_596 : vector<16xi32>
        %gather3A_598 = tpu.vector_load_idx %arg13[%add3A_597] : memref<128xf32, #tpu.memory_space<vmem>>[vector<16xi32>], vector<16xf32>,
        %add3A_599 = arith.addf %gather3A, %gather3A_593 : vector<16xf32>
        %sub3A_600 = arith.subf %gather3A_594, %add3A_599 : vector<16xf32>
        %sub3A_601 = arith.subf %gather3A_598, %add3A_599 : vector<16xf32>
        %mul3A_602 = arith.mulf %sub3A_600, %sub3A_600 : vector<16xf32>
        %add3A_603 = arith.addf %scan3A_586, %mul3A_602 : vector<16xf32>
        %mul3A_604 = arith.mulf %sub3A_601, %sub3A_601 : vector<16xf32>
        %add3A_605 = arith.addf %scan3A_587, %mul3A_604 : vector<16xf32>
        scf.yield %add3A_603, %add3A_605 : vector<16xf32>, vector<16xf32>
      }
      %scan3A_520 = arith.constant 64 : i32
      %mul3A_521 = arith.constant 16 : i32
      %mul3A_522 = arith.muli %scan3A_480, %mul3A_521 : i32
      %bitcast3A = vector.bitcast %scan3A_519#0 : vector<16xf32> to vector<16xi32>
      %shift_right_arithmetic3A = arith.constant 1 : i32
      %shift_right_arithmetic3A_523 = vector.broadcast %shift_right_arithmetic3A : i32 to vector<16xi32>
      %shift_right_arithmetic3A_524 = arith.shrsi %bitcast3A, %shift_right_arithmetic3A_523 : vector<16xi32>
      %sub3A = arith.constant 1597463007 : i32
      %sub3A_525 = vector.broadcast %sub3A : i32 to vector<16xi32>
      %sub3A_526 = arith.subi %sub3A_525, %shift_right_arithmetic3A_524 : vector<16xi32>
      %bitcast3A_527 = vector.bitcast %sub3A_526 : vector<16xi32> to vector<16xf32>
      %mul3A_528 = arith.constant 5.000000e-01 : f32
      %mul3A_529 = vector.broadcast %mul3A_528 : f32 to vector<16xf32>
      %mul3A_530 = arith.mulf %scan3A_519#0, %mul3A_529 : vector<16xf32>
      %mul3A_531 = arith.mulf %mul3A_530, %bitcast3A_527 : vector<16xf32>
      %mul3A_532 = arith.mulf %mul3A_531, %bitcast3A_527 : vector<16xf32>
      %sub3A_533 = arith.constant 1.500000e+00 : f32
      %sub3A_534 = vector.broadcast %sub3A_533 : f32 to vector<16xf32>
      %sub3A_535 = arith.subf %sub3A_534, %mul3A_532 : vector<16xf32>
      %mul3A_536 = arith.mulf %bitcast3A_527, %sub3A_535 : vector<16xf32>
      %mul3A_537 = arith.mulf %mul3A_530, %mul3A_536 : vector<16xf32>
      %mul3A_538 = arith.mulf %mul3A_537, %mul3A_536 : vector<16xf32>
      %sub3A_539 = arith.constant 1.500000e+00 : f32
      %sub3A_540 = vector.broadcast %sub3A_539 : f32 to vector<16xf32>
      %sub3A_541 = arith.subf %sub3A_540, %mul3A_538 : vector<16xf32>
      %mul3A_542 = arith.mulf %mul3A_536, %sub3A_541 : vector<16xf32>
      %mul3A_543 = arith.mulf %mul3A_530, %mul3A_542 : vector<16xf32>
      %mul3A_544 = arith.mulf %mul3A_543, %mul3A_542 : vector<16xf32>
      %sub3A_545 = arith.constant 1.500000e+00 : f32
      %sub3A_546 = vector.broadcast %sub3A_545 : f32 to vector<16xf32>
      %sub3A_547 = arith.subf %sub3A_546, %mul3A_544 : vector<16xf32>
      %mul3A_548 = arith.mulf %mul3A_542, %sub3A_547 : vector<16xf32>
      %mul3A_549 = arith.mulf %scan3A_519#0, %mul3A_548 : vector<16xf32>
      %swap3A_550 = arith.index_cast %mul3A_522 : i32 to index
      %swap3A_551 = tpu.vector_load %arg14[%swap3A_550] {strides = array<i32>} : memref<512xf32, #tpu.memory_space<vmem>>, vector<16xf32>,
      tpu.vector_store %arg14[%swap3A_550], %mul3A_549 {strides = array<i32>} : memref<512xf32, #tpu.memory_space<vmem>>, vector<16xf32>,
      %bitcast3A_552 = vector.bitcast %scan3A_519#1 : vector<16xf32> to vector<16xi32>
      %shift_right_arithmetic3A_553 = arith.constant 1 : i32
      %shift_right_arithmetic3A_554 = vector.broadcast %shift_right_arithmetic3A_553 : i32 to vector<16xi32>
      %shift_right_arithmetic3A_555 = arith.shrsi %bitcast3A_552, %shift_right_arithmetic3A_554 : vector<16xi32>
      %sub3A_556 = arith.constant 1597463007 : i32
      %sub3A_557 = vector.broadcast %sub3A_556 : i32 to vector<16xi32>
      %sub3A_558 = arith.subi %sub3A_557, %shift_right_arithmetic3A_555 : vector<16xi32>
      %bitcast3A_559 = vector.bitcast %sub3A_558 : vector<16xi32> to vector<16xf32>
      %mul3A_560 = arith.constant 5.000000e-01 : f32
      %mul3A_561 = vector.broadcast %mul3A_560 : f32 to vector<16xf32>
      %mul3A_562 = arith.mulf %scan3A_519#1, %mul3A_561 : vector<16xf32>
      %mul3A_563 = arith.mulf %mul3A_562, %bitcast3A_559 : vector<16xf32>
      %mul3A_564 = arith.mulf %mul3A_563, %bitcast3A_559 : vector<16xf32>
      %sub3A_565 = arith.constant 1.500000e+00 : f32
      %sub3A_566 = vector.broadcast %sub3A_565 : f32 to vector<16xf32>
      %sub3A_567 = arith.subf %sub3A_566, %mul3A_564 : vector<16xf32>
      %mul3A_568 = arith.mulf %bitcast3A_559, %sub3A_567 : vector<16xf32>
      %mul3A_569 = arith.mulf %mul3A_562, %mul3A_568 : vector<16xf32>
      %mul3A_570 = arith.mulf %mul3A_569, %mul3A_568 : vector<16xf32>
      %sub3A_571 = arith.constant 1.500000e+00 : f32
      %sub3A_572 = vector.broadcast %sub3A_571 : f32 to vector<16xf32>
      %sub3A_573 = arith.subf %sub3A_572, %mul3A_570 : vector<16xf32>
      %mul3A_574 = arith.mulf %mul3A_568, %sub3A_573 : vector<16xf32>
      %mul3A_575 = arith.mulf %mul3A_562, %mul3A_574 : vector<16xf32>
      %mul3A_576 = arith.mulf %mul3A_575, %mul3A_574 : vector<16xf32>
      %sub3A_577 = arith.constant 1.500000e+00 : f32
      %sub3A_578 = vector.broadcast %sub3A_577 : f32 to vector<16xf32>
      %sub3A_579 = arith.subf %sub3A_578, %mul3A_576 : vector<16xf32>
      %mul3A_580 = arith.mulf %mul3A_574, %sub3A_579 : vector<16xf32>
      %mul3A_581 = arith.mulf %scan3A_519#1, %mul3A_580 : vector<16xf32>
      %swap3A_582 = arith.index_cast %mul3A_522 : i32 to index
      %swap3A_583 = tpu.vector_load %arg15[%swap3A_582] {strides = array<i32>} : memref<512xf32, #tpu.memory_space<vmem>>, vector<16xf32>,
      tpu.vector_store %arg15[%swap3A_582], %mul3A_581 {strides = array<i32>} : memref<512xf32, #tpu.memory_space<vmem>>, vector<16xf32>,
      %scan3A_584 = arith.constant 0 : i32
      scf.yield %scan3A_584 : i32
    }
    %scan3A_479 = arith.constant 32 : i32
    "tpu.region"() ({
      %run_scoped3A = tpu.sem_alloc : memref<!tpu.dma_semaphore, #tpu.memory_space<semaphore_mem>>
      %dma_start3A_480 = tpu.memref_slice %arg7[%mul3A_2] : memref<16384xf32, #tpu.memory_space<hbm>> -> memref<512xf32, #tpu.memory_space<hbm>>
      %dma_start3A_481 = tpu.memref_slice %arg7[%mul3A_2] : memref<16384xf32, #tpu.memory_space<hbm>> -> memref<512xf32, #tpu.memory_space<hbm>>
      tpu.enqueue_dma source(%arg14 : memref<512xf32, #tpu.memory_space<vmem>>) target(%dma_start3A_481 : memref<512xf32, #tpu.memory_space<hbm>>) target_semaphore(%run_scoped3A : memref<!tpu.dma_semaphore, #tpu.memory_space<semaphore_mem>>)
      %dma_wait3A = tpu.memref_slice %arg7[%mul3A_2] : memref<16384xf32, #tpu.memory_space<hbm>> -> memref<512xf32, #tpu.memory_space<hbm>>
      %dma_wait3A_482 = tpu.memref_slice %arg7[%mul3A_2] : memref<16384xf32, #tpu.memory_space<hbm>> -> memref<512xf32, #tpu.memory_space<hbm>>
      tpu.wait_dma2 semaphore(%run_scoped3A : memref<!tpu.dma_semaphore, #tpu.memory_space<semaphore_mem>>) src(%arg14 : memref<512xf32, #tpu.memory_space<vmem>>) dst(%dma_wait3A_482 : memref<512xf32, #tpu.memory_space<hbm>>)
      tpu.yield
    }) : () -> ()
    "tpu.region"() ({
      %run_scoped3A = tpu.sem_alloc : memref<!tpu.dma_semaphore, #tpu.memory_space<semaphore_mem>>
      %dma_start3A_480 = tpu.memref_slice %arg8[%mul3A_2] : memref<16384xf32, #tpu.memory_space<hbm>> -> memref<512xf32, #tpu.memory_space<hbm>>
      %dma_start3A_481 = tpu.memref_slice %arg8[%mul3A_2] : memref<16384xf32, #tpu.memory_space<hbm>> -> memref<512xf32, #tpu.memory_space<hbm>>
      tpu.enqueue_dma source(%arg15 : memref<512xf32, #tpu.memory_space<vmem>>) target(%dma_start3A_481 : memref<512xf32, #tpu.memory_space<hbm>>) target_semaphore(%run_scoped3A : memref<!tpu.dma_semaphore, #tpu.memory_space<semaphore_mem>>)
      %dma_wait3A = tpu.memref_slice %arg8[%mul3A_2] : memref<16384xf32, #tpu.memory_space<hbm>> -> memref<512xf32, #tpu.memory_space<hbm>>
      %dma_wait3A_482 = tpu.memref_slice %arg8[%mul3A_2] : memref<16384xf32, #tpu.memory_space<hbm>> -> memref<512xf32, #tpu.memory_space<hbm>>
      tpu.wait_dma2 semaphore(%run_scoped3A : memref<!tpu.dma_semaphore, #tpu.memory_space<semaphore_mem>>) src(%arg15 : memref<512xf32, #tpu.memory_space<vmem>>) dst(%dma_wait3A_482 : memref<512xf32, #tpu.memory_space<hbm>>)
      tpu.yield
    }) : () -> ()
    return
  }
}

</mosaic_0001>

<sc_bundles>
// kernel: kernel.3.cloned.1.call-start
scs
__scs_entry_jumppad:
0x0: {  	(pc) =	sbr.rel $0x88, $3  }
0x1: {  	(tag) =	ssettag $0x0;
	lr =	simm.s32 $0x1  }
0x2: {  	[smem:$0x3F9C] =	sst lr;
	_ =	strace $0xD0000000  }
0x3: {  	_ = 	snop  }
0x4: {  	_ = 	snop  }
0x5: {  	_ = 	snop  }
0x6: {  	_ = 	snop  }
0x7: {  	_ = 	snop  }
__scs_overlays_trampoline_lowered:
0x8: {  	[smem:$0x3FAB] =	sst s0  }
0x9: {  	[smem:$0x3FAC] =	sst s1  }
0xa: {  	[smem:$0x3FAD] =	sst s2  }
0xb: {  	[smem:$0x3FAE] =	sst s3  }
0xc: {  	[smem:$0x3FAF] =	sst s4  }
0xd: {  	[smem:$0x3FB0] =	sst s5  }
0xe: {  	[smem:$0x3FB1] =	sst s6  }
0xf: {  	[smem:$0x3FB2] =	sst s7  }
0x10: {  	[smem:$0x3FB3] =	sst s8  }
0x11: {  	[smem:$0x3FB4] =	sst s9;
	s0 =	simm.s32 @!p0 $0x0  }
0x12: {  	s1 =	sld [smem:$0x3F9A];
	s0 =	simm.s32 @p0 $0x1  }
0x13: {  	[smem:$0x3FB5] =	sst s0;
	s0 =	simm.s32 @!p1 $0x0  }
0x14: {  	s2 =	sld [smem:$0x3F99];
	s0 =	simm.s32 @p1 $0x1  }
0x15: {  	[smem:$0x3FB6] =	sst s0;
	s0 =	simm.s32 @!p2 $0x0  }
0x16: {  	s3 =	sld [smem:$0x3FDB];
	s0 =	simm.s32 @p2 $0x1  }
0x17: {  	s4 =	simm.s32 $0x1BF5;
	[smem:$0x3FB8] =	sst s0  }
0x18: {  	s0 =	sld [smem:$0x3F9B];
	_ =	swait.ge [sflag:s4], $0x0  }
0x19: {  	s7 =	sld [smem:$0x3F9C]  }
0x1a: {  	s8 =	sadd.s32 $0xFFFFE003, lr  }
0x1b: {  	s9 =	sadd.s32 $0xFFFFFEF7, lr;
	s5 =	simm.s32 $0xFFFFFFFF;
	p2 =	slt.u32 s8, $0xFFFFF086  }
0x1c: {  	p1 =	slt.u32 s9, $0xF7A;
	s5 =	simm.s32 @!p2 $0x0  }
0x1d: {  	s5 =	simm.s32 @p1 $0x1;
	p0 =	seq.s32 s7, s2  }
0x1e: {  	s7 =	smul.u32 @!p0 $0xF7A, s2;
	p2 =	seq.s32 @!p0 s5, $0x0  }
0x1f: {  	s9 =	smul.u32 $0xF7A, s1;
	s8 =	simm.s32 @!p0 $0x1BF5;
	p2 =	por !p2, p0  }
0x20: {  	[sflag:s8] =	ssyncset.s32 @!p0 $0xFFFFF086;
	s6 =	sadd.s32 @!p0 s3, s7;
	s7 =	simm.s32 @!p0 $0x108  }
0x21: {  	s3 =	sadd.s32 s3, s9;
	s6 =	sadd.s32 @!p0 $0x88, s6;
	s7 =	simm.s32 @p2 $0x1082  }
0x22: {  	[simem:s7], [sflag:s8] =	dma.local @!p0 [hbm:s6], $0xF7A  }
0x23: {  	s9 =	sor.u32 $0xD0000000, s2;
	s6 =	simm.s32 $0x108;
	_ =	swait.ge @!p0 [sflag:s8], $0x0  }
0x24: {  	s3 =	sadd.s32 $0x88, s3;
	s6 =	simm.s32 @!p1 $0x1082;
	[sflag:s4] =	ssyncset.s32 $0xFFFFF086  }
0x25: {  	[simem:s6], [sflag:s4] =	dma.local [hbm:s3], $0xF7A  }
0x26: {  	[smem:$0x3F9C] =	sst s1;
	(tag) =	ssettag s2;
	_ =	strace s9  }
0x27: {  	s1 =	sld [smem:$0x3FAC]  }
0x28: {  	s2 =	sld [smem:$0x3FAD]  }
0x29: {  	s4 =	sld [smem:$0x3FAF]  }
0x2a: {  	p0 =	seq.s32 s5, $0x0;
	s5 =	sld [smem:$0x3FB0]  }
0x2b: {  	s6 =	sld [smem:$0x3FB1]  }
0x2c: {  	s7 =	sld [smem:$0x3FB2]  }
0x2d: {  	s3 =	simm.s32 $0x108;
	s8 =	sld [smem:$0x3FB3]  }
0x2e: {  	s3 =	simm.s32 @!p0 $0x1082;
	s9 =	sld [smem:$0x3FB4]  }
0x2f: {  	lr =	sadd.s32 s0, s3;
	s0 =	sld [smem:$0x3FAB]  }
0x30: {  	s3 =	sld [smem:$0x3FAE]  }
0x31: {  	[smem:$0x3FB7] =	sst s10  }
0x32: {  	s10 =	sld [smem:$0x3FB5];
	_ =	sdelay $0x3  }
0x33: {  	p0 =	seq.s32 s10, $0x1;
	s10 =	sld [smem:$0x3FB7];
	_ =	sdelay $0x3  }
0x34: {  	[smem:$0x3FB7] =	sst s10  }
0x35: {  	s10 =	sld [smem:$0x3FB6];
	_ =	sdelay $0x3  }
0x36: {  	p1 =	seq.s32 s10, $0x1;
	s10 =	sld [smem:$0x3FB7];
	_ =	sdelay $0x3  }
0x37: {  	[smem:$0x3FB7] =	sst s10  }
0x38: {  	s10 =	sld [smem:$0x3FB8]  }
0x39: {  	_ = 	snop;
	(pc) =	sbr.ind lr, $3  }
0x3a: {  	_ = 	snop  }
0x3b: {  	_ = 	snop  }
0x3c: {  	p2 =	seq.s32 s10, $0x1;
	s10 =	sld [smem:$0x3FB7]  }
0x3d: {  	_ =	shalt  }
0x3e: {  	_ =	shalt  }
0x3f: {  	_ =	shalt  }
0x40: {  	_ =	shalt  }
0x41: {  	_ =	shalt  }
0x42: {  	_ =	shalt  }
0x43: {  	_ =	shalt  }
0x44: {  	_ =	shalt  }
0x45: {  	_ =	shalt  }
0x46: {  	_ =	shalt  }
0x47: {  	_ =	shalt  }
0x48: {  	_ =	shalt  }
0x49: {  	_ =	shalt  }
0x4a: {  	_ =	shalt  }
0x4b: {  	_ =	shalt  }
0x4c: {  	_ =	shalt  }
0x4d: {  	_ =	shalt  }
0x4e: {  	_ =	shalt  }
0x4f: {  	_ =	shalt  }
0x50: {  	_ =	shalt  }
0x51: {  	_ =	shalt  }
0x52: {  	_ =	shalt  }
0x53: {  	_ =	shalt  }
0x54: {  	_ =	shalt  }
0x55: {  	_ =	shalt  }
0x56: {  	_ =	shalt  }
0x57: {  	_ =	shalt  }
0x58: {  	_ =	shalt  }
0x59: {  	_ =	shalt  }
0x5a: {  	_ =	shalt  }
0x5b: {  	_ =	shalt  }
0x5c: {  	_ =	shalt  }
0x5d: {  	_ =	shalt  }
0x5e: {  	_ =	shalt  }
0x5f: {  	_ =	shalt  }
0x60: {  	_ =	shalt  }
0x61: {  	_ =	shalt  }
0x62: {  	_ =	shalt  }
0x63: {  	_ =	shalt  }
0x64: {  	_ =	shalt  }
0x65: {  	_ =	shalt  }
0x66: {  	_ =	shalt  }
0x67: {  	_ =	shalt  }
0x68: {  	_ =	shalt  }
0x69: {  	_ =	shalt  }
0x6a: {  	_ =	shalt  }
0x6b: {  	_ =	shalt  }
0x6c: {  	_ =	shalt  }
0x6d: {  	_ =	shalt  }
0x6e: {  	_ =	shalt  }
0x6f: {  	_ =	shalt  }
0x70: {  	_ =	shalt  }
0x71: {  	_ =	shalt  }
0x72: {  	_ =	shalt  }
0x73: {  	_ =	shalt  }
0x74: {  	_ =	shalt  }
0x75: {  	_ =	shalt  }
0x76: {  	_ =	shalt  }
0x77: {  	_ =	shalt  }
0x78: {  	_ =	shalt  }
0x79: {  	_ =	shalt  }
0x7a: {  	_ =	shalt  }
0x7b: {  	_ =	shalt  }
0x7c: {  	_ =	shalt  }
0x7d: {  	_ =	shalt  }
0x7e: {  	_ =	shalt  }
0x7f: {  	_ =	shalt  }
0x80: {  	_ =	shalt  }
0x81: {  	_ =	shalt  }
0x82: {  	_ =	shalt  }
0x83: {  	_ =	shalt  }
0x84: {  	_ =	shalt  }
0x85: {  	_ =	shalt  }
0x86: {  	_ =	shalt  }
0x87: {  	_ =	shalt  }
.Lfunc_end0:
.L_simem_size_0:
called_computation_lowered:
.L_overlay_start_0:
0x88: {  	s2 =	sld [smem:$0x3FD9]  }
0x89: {  	s3 =	sld [smem:$0x3FFE];
	_ =	sdelay $0x1  }
0x8a: {  	s1 =	srdreg.scid  }
0x8b: {  	s0 =	sand.u32 $0x1, s1  }
0x8c: {  	s14 =	sshll.u32 s0, $0xA;
	s2 =	sadd.s32 s3, s2  }
0x8d: {  	s2 =	sadd.s32 s2, s14  }
0x8e: {  	[smem:$0x3FC3] =	sst s2  }
0x8f: {  	_ = 	snop  }
0x90: {  	s2 =	sld [smem:$0x3FD0];
	_ =	sdelay $0x1  }
0x91: {  	s15 =	sld [smem:$0x3FC9]  }
0x92: {  	s5 =	simm.s32 $0xA;
	s6 =	simm.s32 $0x10;
	s4 =	sld [smem:$0x3FC8]  }
0x93: {  	[smem:s6], [sflag:s5] =	dma.local [hbm:s2], $0x1  }
0x94: {  	_ =	swait.eq [sflag:s5], $0x1  }
0x95: {  	[sflag:s5] =	ssyncset.done $0x0  }
0x96: {  	s16 =	sld [smem:$0x10];
	[sflag:s5] =	ssyncadd.s32 $0xFFFFFFFF  }
0x97: {  	s17 =	sld [smem:$0x11];
	(tm) =	ssettm $0x1  }
0x98: {  	s18 =	sld [smem:$0x3FFB];
	_ =	sdelay $0x3  }
0x99: {  	_ =	strace s18  }
0x9a: {  	s6 =	sld [smem:$0x3FFC];
	_ =	sdelay $0x3  }
0x9b: {  	_ =	strace s6  }
0x9c: {  	s6 =	sld [smem:$0x3FFD];
	_ =	sdelay $0x3  }
0x9d: {  	_ =	strace s6  }
0x9e: {  	_ =	strace $0x8FFFFFFF  }
0x9f: {  	s19 =	sld [smem:$0x3FDB];
	_ =	sdelay $0x1  }
0xa0: {  	s7 =	simm.s32 $_scs_section_size  }
0xa1: {  	s8 =	simm.s32 $_size__tile_overlayer_lowered;
	s9 =	simm.s32 $_tile_overlayer_lowered  }
0xa2: {  	s22 =	simm.s32 $0x1BFF;
	s21 =	sshll.u32 s9, $0x1;
	s6 =	sadd.s32 s7, s19  }
0xa3: {  	s10 =	simm.s32 $0x0;
	s20 =	sshll.u32 s8, $0x1;
	s8 =	sadd.s32 s21, s6  }
0xa4: {  	[timem:s10], [sflag:s22] =	dma.local [hbm:s8], s20  }
0xa5: {  	_ =	swait.ge [sflag:s22], s20  }
0xa6: {  	s7 =	ssub.s32 $0x0, s20;
	[sflag:s22] =	ssyncset.done $0x0  }
0xa7: {  	[sflag:s22] =	ssyncadd.s32 s7;
	_ =	sdelay $0x1  }
0xa8: {  	s23 =	simm.s32 $0x1B8B  }
0xa9: {  	_ =	swait.ge [sflag:s23], $0x1  }
0xaa: {  	[sflag:s23] =	ssyncset.done $0x0  }
0xab: {  	s25 =	simm.s32 $0x1B8E;
	s24 =	sld [smem:$0x3FFE];
	[sflag:s23] =	ssyncadd.s32 $0xFFFFFFFF  }
0xac: {  	s26 =	simm.s32 $execute0_lowered;
	[smem:$0x3FD2] =	sst s25  }
0xad: {  	s8 =	sshll.u32 s26, $0x1;
	_ =	strace $0x80000046;
	[dreg:$0x1] =	wrdreg $0xFFFFFFFF  }
0xae: {  	s28 =	simm.s32 $_size_execute0_lowered;
	s6 =	sadd.s32 s6, s8;
	[dreg:$0x0] =	wrdreg $0x0  }
0xaf: {  	s8 =	sshll.u32 s28, $0x1;
	[dreg:$0x2] =	wrdreg s6  }
0xb0: {  	[dreg:$0x3] =	wrdreg s8  }
0xb1: {  	[dreg:$0x4] =	wrdreg $0xC0  }
0xb2: {  	_ =	task [dreg:s10], $0x5FFFF  }
0xb3: {  	[dreg:$0x1] =	wrdreg $0xFFFFFFFF  }
0xb4: {  	[dreg:$0x0] =	wrdreg $0x60  }
0xb5: {  	[dreg:$0x2] =	wrdreg s15  }
0xb6: {  	[dreg:$0x3] =	wrdreg s4  }
0xb7: {  	[dreg:$0x4] =	wrdreg s24  }
0xb8: {  	[dreg:$0x5] =	wrdreg s16  }
0xb9: {  	[dreg:$0x6] =	wrdreg s17  }
0xba: {  	[dreg:$0x7] =	wrdreg $0x9  }
0xbb: {  	_ =	task.clear_ibuf [dreg:s10], $0x8FFFF;
	_ =	strace $0x90000046  }
0xbc: {  	s29 =	simm.s32 $0x9;
	_ =	strace $0x80000048  }
0xbd: {  	_ =	swait.ge [sflag:s29], $0x1  }
0xbe: {  	[sflag:s29] =	ssyncadd.s32 $0xFFFFFFFF  }
0xbf: {  	_ =	strace $0x90000048  }
0xc0: {  	_ =	sfence  }
0xc1: {  	s30 =	sld [smem:$0x0];
	_ =	sdelay $0x2  }
0xc2: {  	s31 =	sshll.u32 s1, $0xD;
	s1 =	sshrl.u32 s1, $0x2  }
0xc3: {  	s3 =	sand.u32 $0x4000, s31;
	s1 =	sadd.s32 s1, s30  }
0xc4: {  	s0 =	sor.u32 s3, s0;
	s1 =	sshll.u32 s1, $0x11  }
0xc5: {  	s0 =	sor.u32 s1, s0  }
0xc6: {  	s0 =	sadd.s32 $0x8F2B, s0  }
0xc7: {  	[sflag:s0] =	ssyncadd.remote.s32 $0x1  }
0xc8: {  	_ =	sfence.sel $0xFFFF  }
0xc9: {  	[dreg:$0x0] =	wrdreg $0xFFFFFFFF;
	(pc) =	sbr.abs _section_cstart, $3  }
0xca: {  	[dreg:$0x1] =	wrdreg $0xFFFFFFFF  }
0xcb: {  	_ =	task.clear_ibuf [dreg:s10], $0x2FFFF;
	_ =	strace $0x9FFFFFFF  }
0xcc: {  	(tm) =	ssettm $0x7FFFFFFF  }
0xcd: {  	_ =	shalt  }
tec
execute0_lowered:
.L_overlay_start_1:
0x0: {  	(tag) =	ssettag $0x1  }
0x1: {  	s0 =	rddreg [dreg:$0x0]  }
0x2: {  	s2 =	rddreg [dreg:$0x1]  }
0x3: {  	s5 =	rddreg [dreg:$0x2]  }
0x4: {  	s14 =	rddreg [dreg:$0x3]  }
0x5: {  	s15 =	rddreg [dreg:$0x4];
	s1 =	simm.s32 $0x0  }
0x6: {  	s4 =	srdreg.scid;
	s9 =	stileid.u32;
	s25 =	simm.s32 $0x2400  }
0x7: {  	s26 =	simm.s32 $0x400;
	s28 =	simm.s32 $0x1400;
	s18 =	simm.s32 $0x1B80  }
0x8: {  	s19 =	simm.s32 $0x1;
	s20 =	simm.s32 $0x2;
	s21 =	simm.s32 $0x2480  }
0x9: {  	s22 =	simm.s32 $0x2680;
	s23 =	simm.s32 $0x0;
	[smem:$0x7FF] =	sst s1  }
0xa: {  	s3 =	sadd.s32 $0x800, s5;
	s6 =	sand.u32 $0x1, s4;
	s4 =	sadd.s32 $0xF42E00, s5  }
0xb: {  	s9 =	sshll.u32 s9, $0x7;
	s7 =	ssub.s32 $0x2, s6;
	s6 =	sshll.u32 s6, $0x6  }
0xc: {  	s5 =	sadd.s32 $0x600, s5;
	s8 =	sshrl.u32 s7, $0x1;
	s17 =	sor.u32 s6, s9  }
0xd: {  	_ =	strace $0x80000047;
	s16 =	ssub.s32 s7, s8;
	s6 =	sadd.s32 s0, s17  }
0xe: {  	s7 =	sadd.s32 s2, s17;
	s9 =	sor.u32 $0x10, s17;
	s11 =	sor.u32 $0x20, s17  }
0xf: {  	s13 =	sor.u32 $0x30, s17;
	s14 =	sadd.s32 s14, s17;
	s15 =	sadd.s32 s15, s17  }
0x10: {  	s17 =	simm.s32 $0x3;
	s8 =	sadd.s32 s0, s9;
	s9 =	sadd.s32 s2, s9  }
0x11: {  	v0 =	vlaneseq.u32;
	s10 =	sadd.s32 s0, s11;
	s11 =	sadd.s32 s2, s11;
	s12 =	sadd.s32 s0, s13  }
0x12: {  	v0 =	vmul.u32 $0x80, v0;
	s13 =	sadd.s32 s2, s13;
	s16 =	smax.u32 s16, $0x1;
	s2 =	simm.s32 $0xB80  }
.LBB2_1:
0x13: {  	[tilespmem:s1], [sflag:$0x3] =	stream.linear.gather [hbm4b:s6+s1], $0x80, $0x38;
	[tilespmem:$0x2880] =	vst v63  }
0x14: {  	_ =	swait.ge [sflag:s17], $0x80  }
0x15: {  	[sflag:s17] =	ssyncset.done $0x0  }
0x16: {  	s0 =	simm.s32 $0x200;
	[sflag:s17] =	ssyncadd.s32 $0xFFFFFF80  }
0x17: {  	[tilespmem:s0], [sflag:$0x3] =	stream.linear.gather [hbm4b:s7+s1], $0x80, $0x38;
	[tilespmem:$0x2880] =	vst v63  }
0x18: {  	_ =	swait.ge [sflag:s17], $0x80  }
0x19: {  	[sflag:s17] =	ssyncset.done $0x0  }
0x1a: {  	s31 =	simm.s32 $0x80;
	[sflag:s17] =	ssyncadd.s32 $0xFFFFFF80  }
0x1b: {  	[tilespmem:s31], [sflag:$0x3] =	stream.linear.gather [hbm4b:s8+s1], $0x80, $0x38;
	[tilespmem:$0x2880] =	vst v63  }
0x1c: {  	_ =	swait.ge [sflag:s17], $0x80  }
0x1d: {  	[sflag:s17] =	ssyncset.done $0x0  }
0x1e: {  	s24 =	simm.s32 $0x280;
	[sflag:s17] =	ssyncadd.s32 $0xFFFFFF80  }
0x1f: {  	[tilespmem:s24], [sflag:$0x3] =	stream.linear.gather [hbm4b:s9+s1], $0x80, $0x38;
	[tilespmem:$0x2880] =	vst v63  }
0x20: {  	_ =	swait.ge [sflag:s17], $0x80  }
0x21: {  	[sflag:s17] =	ssyncset.done $0x0  }
0x22: {  	s29 =	simm.s32 $0x100;
	[sflag:s17] =	ssyncadd.s32 $0xFFFFFF80  }
0x23: {  	[tilespmem:s29], [sflag:$0x3] =	stream.linear.gather [hbm4b:s10+s1], $0x80, $0x38;
	[tilespmem:$0x2880] =	vst v63  }
0x24: {  	_ =	swait.ge [sflag:s17], $0x80  }
0x25: {  	[sflag:s17] =	ssyncset.done $0x0  }
0x26: {  	s30 =	simm.s32 $0x300;
	[sflag:s17] =	ssyncadd.s32 $0xFFFFFF80  }
0x27: {  	[tilespmem:s30], [sflag:$0x3] =	stream.linear.gather [hbm4b:s11+s1], $0x80, $0x38;
	[tilespmem:$0x2880] =	vst v63  }
0x28: {  	_ =	swait.ge [sflag:s17], $0x80  }
0x29: {  	[sflag:s17] =	ssyncset.done $0x0  }
0x2a: {  	s31 =	simm.s32 $0x180;
	[sflag:s17] =	ssyncadd.s32 $0xFFFFFF80  }
0x2b: {  	[tilespmem:s31], [sflag:$0x3] =	stream.linear.gather [hbm4b:s12+s1], $0x80, $0x38;
	[tilespmem:$0x2880] =	vst v63  }
0x2c: {  	_ =	swait.ge [sflag:s17], $0x80  }
0x2d: {  	[sflag:s17] =	ssyncset.done $0x0  }
0x2e: {  	s24 =	simm.s32 $0x380;
	[sflag:s17] =	ssyncadd.s32 $0xFFFFFF80  }
0x2f: {  	[tilespmem:s24], [sflag:$0x3] =	stream.linear.gather [hbm4b:s13+s1], $0x80, $0x38;
	[tilespmem:$0x2880] =	vst v63  }
0x30: {  	_ =	swait.ge [sflag:s17], $0x80  }
0x31: {  	[sflag:s17] =	ssyncset.done $0x0  }
0x32: {  	[sflag:s17] =	ssyncadd.s32 $0xFFFFFF80  }
0x33: {  	[tilespmem:s25], [sflag:$0x3] =	stream.linear.gather [hbm4b:s5+s1], $0x80, $0x38;
	[tilespmem:$0x2880] =	vst v63  }
0x34: {  	_ =	swait.ge [sflag:s17], $0x80  }
0x35: {  	[sflag:s17] =	ssyncset.done $0x0  }
0x36: {  	[sflag:s17] =	ssyncadd.s32 $0xFFFFFF80  }
0x37: {  	v1 =	vld [tilespmem:$0x0];
	_ =	sdelay $0x1  }
0x38: {  	v3 =	vld [tilespmem:$0x200];
	_ =	sdelay $0x2  }
0x39: {  	v2 =	vshll.u32 v1, $0x4  }
0x3a: {  	(v2sf) =	vpush v2, $0x0  }
0x3b: {  	v1 =	vshll.u32 v3, $0x4  }
0x3c: {  	(v2sf) =	vpush v1, $0x0;
	_ =	sdelay $0x1  }
0x3d: {  	(v2sf) =	vpush v2, $0x1;
	_ =	sdelay $0x2  }
0x3e: {  	(v2sf) =	vpush v1, $0x1  }
0x3f: {  	v4 =	vld [tilespmem:$0x2400]  }
0x40: {  	v3 =	vld [tilespmem:$0x2410]  }
0x41: {  	v5 =	vld [tilespmem:$0x2420]  }
0x42: {  	v6 =	vld [tilespmem:$0x2430]  }
0x43: {  	v7 =	vld [tilespmem:$0x2440]  }
0x44: {  	v8 =	vld [tilespmem:$0x2450];
	v4 =	vadd.f32 $9.999999970e-07, v4  }
0x45: {  	v9 =	vld [tilespmem:$0x2460];
	v3 =	vadd.f32 $9.999999970e-07, v3  }
0x46: {  	v61 =	vld [tilespmem:$0x2470];
	v60 =	vadd.f32 $9.999999970e-07, v5;
	[tilespmem:$0x2400] =	vst v4;
	s24 =	spop (v2sf);
	(v2sf) =	vpush v2, $0x2  }
0x47: {  	[tilespmem:$0x2410] =	vst v3;
	v3 =	vadd.f32 $9.999999970e-07, v6  }
0x48: {  	v62 =	vadd.f32 $9.999999970e-07, v7;
	[tilespmem:$0x2420] =	vst v60;
	s29 =	spop (v2sf);
	(v2sf) =	vpush v1, $0x2  }
0x49: {  	[tilespmem:$0x2430] =	vst v3;
	v3 =	vadd.f32 $9.999999970e-07, v8  }
0x4a: {  	v63 =	vadd.f32 $9.999999970e-07, v9;
	[tilespmem:$0x2440] =	vst v62;
	s30 =	spop (v2sf);
	(v2sf) =	vpush v2, $0x3  }
0x4b: {  	[tilespmem:$0x2450] =	vst v3;
	v3 =	vadd.f32 $9.999999970e-07, v61  }
0x4c: {  	[tilespmem:$0x2460] =	vst v63;
	s24 =	sand.u32 $0x1FFFFFF0, s24  }
0x4d: {  	[tilespmem:$0x2470] =	vst v3;
	s24 =	sadd.s32 s3, s24;
	s0 =	spop (v2sf);
	(v2sf) =	vpush v1, $0x3  }
0x4e: {  	[tilespmem:s26], [sflag:$0x1] =	stream.linear.gather [hbm4b:s24+s1], $0x80, $0x38;
	[tilespmem:$0x2880] =	vst v63  }
0x4f: {  	s24 =	sand.u32 $0x1FFFFFF0, s29  }
0x50: {  	s24 =	sadd.s32 s4, s24  }
0x51: {  	[tilespmem:s28], [sflag:$0x2] =	stream.linear.gather [hbm4b:s24+s1], $0x80, $0x38;
	[tilespmem:$0x2880] =	vst v63  }
0x52: {  	s24 =	sand.u32 $0x1FFFFFF0, s30  }
0x53: {  	s31 =	simm.s32 $0x480;
	s24 =	sadd.s32 s3, s24  }
0x54: {  	[tilespmem:s31], [sflag:$0x1] =	stream.linear.gather [hbm4b:s24+s1], $0x80, $0x38;
	[tilespmem:$0x2880] =	vst v63  }
0x55: {  	s30 =	spop (v2sf);
	(v2sf) =	vpush v2, $0x4  }
0x56: {  	s24 =	sand.u32 $0x1FFFFFF0, s0  }
0x57: {  	s29 =	simm.s32 $0x1480;
	s24 =	sadd.s32 s4, s24;
	s0 =	spop (v2sf);
	(v2sf) =	vpush v1, $0x4  }
0x58: {  	[tilespmem:s29], [sflag:$0x2] =	stream.linear.gather [hbm4b:s24+s1], $0x80, $0x38;
	[tilespmem:$0x2880] =	vst v63  }
0x59: {  	s24 =	sand.u32 $0x1FFFFFF0, s30;
	s30 =	spop (v2sf);
	(v2sf) =	vpush v2, $0x5  }
0x5a: {  	s31 =	simm.s32 $0x500;
	s24 =	sadd.s32 s3, s24  }
0x5b: {  	[tilespmem:s31], [sflag:$0x1] =	stream.linear.gather [hbm4b:s24+s1], $0x80, $0x38;
	[tilespmem:$0x2880] =	vst v63  }
0x5c: {  	s24 =	sand.u32 $0x1FFFFFF0, s0;
	s0 =	spop (v2sf);
	(v2sf) =	vpush v1, $0x5;
	_ =	sdelay $0x2  }
0x5d: {  	s29 =	simm.s32 $0x1500;
	s24 =	sadd.s32 s4, s24  }
0x5e: {  	[tilespmem:s29], [sflag:$0x2] =	stream.linear.gather [hbm4b:s24+s1], $0x80, $0x38;
	[tilespmem:$0x2880] =	vst v63  }
0x5f: {  	s24 =	sand.u32 $0x1FFFFFF0, s30  }
0x60: {  	s31 =	simm.s32 $0x580;
	s24 =	sadd.s32 s3, s24  }
0x61: {  	[tilespmem:s31], [sflag:$0x1] =	stream.linear.gather [hbm4b:s24+s1], $0x80, $0x38;
	[tilespmem:$0x2880] =	vst v63  }
0x62: {  	s30 =	spop (v2sf);
	(v2sf) =	vpush v2, $0x6  }
0x63: {  	s24 =	sand.u32 $0x1FFFFFF0, s0  }
0x64: {  	s29 =	simm.s32 $0x1580;
	s24 =	sadd.s32 s4, s24;
	s0 =	spop (v2sf);
	(v2sf) =	vpush v1, $0x6  }
0x65: {  	[tilespmem:s29], [sflag:$0x2] =	stream.linear.gather [hbm4b:s24+s1], $0x80, $0x38;
	[tilespmem:$0x2880] =	vst v63  }
0x66: {  	s24 =	sand.u32 $0x1FFFFFF0, s30;
	s30 =	spop (v2sf);
	(v2sf) =	vpush v2, $0x7  }
0x67: {  	s31 =	simm.s32 $0x600;
	s24 =	sadd.s32 s3, s24  }
0x68: {  	[tilespmem:s31], [sflag:$0x1] =	stream.linear.gather [hbm4b:s24+s1], $0x80, $0x38;
	[tilespmem:$0x2880] =	vst v63  }
0x69: {  	s24 =	sand.u32 $0x1FFFFFF0, s0;
	s0 =	spop (v2sf);
	(v2sf) =	vpush v1, $0x7;
	_ =	sdelay $0x2  }
0x6a: {  	s29 =	simm.s32 $0x1600;
	s24 =	sadd.s32 s4, s24  }
0x6b: {  	[tilespmem:s29], [sflag:$0x2] =	stream.linear.gather [hbm4b:s24+s1], $0x80, $0x38;
	[tilespmem:$0x2880] =	vst v63  }
0x6c: {  	s24 =	sand.u32 $0x1FFFFFF0, s30  }
0x6d: {  	s31 =	simm.s32 $0x680;
	s24 =	sadd.s32 s3, s24  }
0x6e: {  	[tilespmem:s31], [sflag:$0x1] =	stream.linear.gather [hbm4b:s24+s1], $0x80, $0x38;
	[tilespmem:$0x2880] =	vst v63  }
0x6f: {  	s30 =	spop (v2sf);
	(v2sf) =	vpush v2, $0x8  }
0x70: {  	s24 =	sand.u32 $0x1FFFFFF0, s0  }
0x71: {  	s29 =	simm.s32 $0x1680;
	s24 =	sadd.s32 s4, s24;
	s0 =	spop (v2sf);
	(v2sf) =	vpush v1, $0x8  }
0x72: {  	[tilespmem:s29], [sflag:$0x2] =	stream.linear.gather [hbm4b:s24+s1], $0x80, $0x38;
	[tilespmem:$0x2880] =	vst v63  }
0x73: {  	s24 =	sand.u32 $0x1FFFFFF0, s30;
	s30 =	spop (v2sf);
	(v2sf) =	vpush v2, $0x9  }
0x74: {  	s31 =	simm.s32 $0x700;
	s24 =	sadd.s32 s3, s24  }
0x75: {  	[tilespmem:s31], [sflag:$0x1] =	stream.linear.gather [hbm4b:s24+s1], $0x80, $0x38;
	[tilespmem:$0x2880] =	vst v63  }
0x76: {  	s24 =	sand.u32 $0x1FFFFFF0, s0;
	s0 =	spop (v2sf);
	(v2sf) =	vpush v1, $0x9;
	_ =	sdelay $0x2  }
0x77: {  	s29 =	simm.s32 $0x1700;
	s24 =	sadd.s32 s4, s24  }
0x78: {  	[tilespmem:s29], [sflag:$0x2] =	stream.linear.gather [hbm4b:s24+s1], $0x80, $0x38;
	[tilespmem:$0x2880] =	vst v63  }
0x79: {  	s24 =	sand.u32 $0x1FFFFFF0, s30  }
0x7a: {  	s31 =	simm.s32 $0x780;
	s24 =	sadd.s32 s3, s24  }
0x7b: {  	[tilespmem:s31], [sflag:$0x1] =	stream.linear.gather [hbm4b:s24+s1], $0x80, $0x38;
	[tilespmem:$0x2880] =	vst v63  }
0x7c: {  	s30 =	spop (v2sf);
	(v2sf) =	vpush v2, $0xA  }
0x7d: {  	s24 =	sand.u32 $0x1FFFFFF0, s0  }
0x7e: {  	s29 =	simm.s32 $0x1780;
	s24 =	sadd.s32 s4, s24;
	s0 =	spop (v2sf);
	(v2sf) =	vpush v1, $0xA  }
0x7f: {  	[tilespmem:s29], [sflag:$0x2] =	stream.linear.gather [hbm4b:s24+s1], $0x80, $0x38;
	[tilespmem:$0x2880] =	vst v63  }
0x80: {  	s24 =	sand.u32 $0x1FFFFFF0, s30;
	s30 =	spop (v2sf);
	(v2sf) =	vpush v2, $0xB  }
0x81: {  	s31 =	simm.s32 $0x800;
	s24 =	sadd.s32 s3, s24  }
0x82: {  	[tilespmem:s31], [sflag:$0x1] =	stream.linear.gather [hbm4b:s24+s1], $0x80, $0x38;
	[tilespmem:$0x2880] =	vst v63  }
0x83: {  	s24 =	sand.u32 $0x1FFFFFF0, s0;
	s0 =	spop (v2sf);
	(v2sf) =	vpush v1, $0xB;
	_ =	sdelay $0x2  }
0x84: {  	s29 =	simm.s32 $0x1800;
	s24 =	sadd.s32 s4, s24  }
0x85: {  	[tilespmem:s29], [sflag:$0x2] =	stream.linear.gather [hbm4b:s24+s1], $0x80, $0x38;
	[tilespmem:$0x2880] =	vst v63  }
0x86: {  	s24 =	sand.u32 $0x1FFFFFF0, s30  }
0x87: {  	s31 =	simm.s32 $0x880;
	s24 =	sadd.s32 s3, s24  }
0x88: {  	[tilespmem:s31], [sflag:$0x1] =	stream.linear.gather [hbm4b:s24+s1], $0x80, $0x38;
	[tilespmem:$0x2880] =	vst v63  }
0x89: {  	s30 =	spop (v2sf);
	(v2sf) =	vpush v2, $0xC  }
0x8a: {  	s24 =	sand.u32 $0x1FFFFFF0, s0  }
0x8b: {  	s29 =	simm.s32 $0x1880;
	s24 =	sadd.s32 s4, s24;
	s0 =	spop (v2sf);
	(v2sf) =	vpush v1, $0xC  }
0x8c: {  	[tilespmem:s29], [sflag:$0x2] =	stream.linear.gather [hbm4b:s24+s1], $0x80, $0x38;
	[tilespmem:$0x2880] =	vst v63  }
0x8d: {  	s24 =	sand.u32 $0x1FFFFFF0, s30;
	s30 =	spop (v2sf);
	(v2sf) =	vpush v2, $0xD  }
0x8e: {  	s31 =	simm.s32 $0x900;
	s24 =	sadd.s32 s3, s24  }
0x8f: {  	[tilespmem:s31], [sflag:$0x1] =	stream.linear.gather [hbm4b:s24+s1], $0x80, $0x38;
	[tilespmem:$0x2880] =	vst v63  }
0x90: {  	s24 =	sand.u32 $0x1FFFFFF0, s0;
	s0 =	spop (v2sf);
	(v2sf) =	vpush v1, $0xD;
	_ =	sdelay $0x1  }
0x91: {  	s29 =	simm.s32 $0x1900;
	s24 =	sadd.s32 s4, s24  }
0x92: {  	[tilespmem:s29], [sflag:$0x2] =	stream.linear.gather [hbm4b:s24+s1], $0x80, $0x38;
	[tilespmem:$0x2880] =	vst v63  }
0x93: {  	s24 =	sand.u32 $0x1FFFFFF0, s30  }
0x94: {  	s31 =	simm.s32 $0x980;
	s24 =	sadd.s32 s3, s24  }
0x95: {  	[tilespmem:s31], [sflag:$0x1] =	stream.linear.gather [hbm4b:s24+s1], $0x80, $0x38;
	[tilespmem:$0x2880] =	vst v63  }
0x96: {  	s24 =	sand.u32 $0x1FFFFFF0, s0  }
0x97: {  	s29 =	simm.s32 $0x1980;
	s24 =	sadd.s32 s4, s24;
	s30 =	spop (v2sf);
	(v2sf) =	vpush v2, $0xE  }
0x98: {  	[tilespmem:s29], [sflag:$0x2] =	stream.linear.gather [hbm4b:s24+s1], $0x80, $0x38;
	[tilespmem:$0x2880] =	vst v63  }
0x99: {  	s0 =	spop (v2sf);
	(v2sf) =	vpush v1, $0xE  }
0x9a: {  	s24 =	sand.u32 $0x1FFFFFF0, s30  }
0x9b: {  	s31 =	simm.s32 $0xA00;
	s24 =	sadd.s32 s3, s24;
	s30 =	spop (v2sf)  }
0x9c: {  	(v2sf) =	vpush v2, $0xF;
	[tilespmem:s31], [sflag:$0x1] =	stream.linear.gather [hbm4b:s24+s1], $0x80, $0x38;
	[tilespmem:$0x2880] =	vst v63  }
0x9d: {  	s24 =	sand.u32 $0x1FFFFFF0, s0  }
0x9e: {  	s29 =	simm.s32 $0x1A00;
	s0 =	spop (v2sf);
	s24 =	sadd.s32 s4, s24  }
0x9f: {  	(v2sf) =	vpush v1, $0xF;
	[tilespmem:s29], [sflag:$0x2] =	stream.linear.gather [hbm4b:s24+s1], $0x80, $0x38;
	[tilespmem:$0x2880] =	vst v63  }
0xa0: {  	s24 =	sand.u32 $0x1FFFFFF0, s30  }
0xa1: {  	s31 =	simm.s32 $0xA80;
	s24 =	sadd.s32 s3, s24  }
0xa2: {  	[tilespmem:s31], [sflag:$0x1] =	stream.linear.gather [hbm4b:s24+s1], $0x80, $0x38;
	[tilespmem:$0x2880] =	vst v63  }
0xa3: {  	s24 =	sand.u32 $0x1FFFFFF0, s0  }
0xa4: {  	s29 =	simm.s32 $0x1A80;
	s24 =	sadd.s32 s4, s24  }
0xa5: {  	[tilespmem:s29], [sflag:$0x2] =	stream.linear.gather [hbm4b:s24+s1], $0x80, $0x38;
	[tilespmem:$0x2880] =	vst v63  }
0xa6: {  	s30 =	spop (v2sf)  }
0xa7: {  	s24 =	sand.u32 $0x1FFFFFF0, s30  }
0xa8: {  	s31 =	simm.s32 $0xB00;
	s0 =	spop (v2sf);
	s24 =	sadd.s32 s3, s24  }
0xa9: {  	[tilespmem:s31], [sflag:$0x1] =	stream.linear.gather [hbm4b:s24+s1], $0x80, $0x38;
	[tilespmem:$0x2880] =	vst v63  }
0xaa: {  	s24 =	sand.u32 $0x1FFFFFF0, s0  }
0xab: {  	s29 =	simm.s32 $0x1B00;
	s30 =	spop (v2sf);
	s24 =	sadd.s32 s4, s24  }
0xac: {  	[tilespmem:s29], [sflag:$0x2] =	stream.linear.gather [hbm4b:s24+s1], $0x80, $0x38;
	[tilespmem:$0x2880] =	vst v63  }
0xad: {  	s24 =	sand.u32 $0x1FFFFFF0, s30  }
0xae: {  	s31 =	spop (v2sf);
	s24 =	sadd.s32 s3, s24  }
0xaf: {  	[tilespmem:s2], [sflag:$0x1] =	stream.linear.gather [hbm4b:s24+s1], $0x80, $0x38;
	[tilespmem:$0x2880] =	vst v63  }
0xb0: {  	s24 =	sand.u32 $0x1FFFFFF0, s31  }
0xb1: {  	s24 =	sadd.s32 s4, s24  }
0xb2: {  	[tilespmem:s18], [sflag:$0x2] =	stream.linear.gather [hbm4b:s24+s1], $0x80, $0x38;
	[tilespmem:$0x2880] =	vst v63  }
0xb3: {  	s24 =	simm.s32 $0x0  }
.LBB2_2:
0xb4: {  	p0 =	seq.s32 s24, $0x1F  }
.Ltmp0:
0xb5: {  	_ = 	snop;
	(pc) =	sbr.rel @p0 .LBB2_4-.Ltmp0, $2  }
0xb6: {  	_ =	sdelay $0x2  }
0xb7: {  	s29 =	sadd.s32 $0x1, s24  }
0xb8: {  	s30 =	sshll.u32 s29, $0x4  }
0xb9: {  	v1 =	vld [tilespmem:s30+$0x0];
	_ =	sdelay $0x3  }
0xba: {  	v3 =	vld [tilespmem:s30+$0x200]  }
0xbb: {  	v2 =	vshll.u32 v1, $0x4  }
0xbc: {  	(v2sf) =	vpush v2, $0x0;
	_ =	sdelay $0x2  }
0xbd: {  	v1 =	vshll.u32 v3, $0x4  }
0xbe: {  	(v2sf) =	vpush v1, $0x0;
	_ =	sdelay $0x3  }
0xbf: {  	(v2sf) =	vpush v2, $0x1;
	_ =	sdelay $0x3  }
0xc0: {  	(v2sf) =	vpush v1, $0x1;
	_ =	sdelay $0x2  }
0xc1: {  	s0 =	sshll.u32 s29, $0xB;
	s31 =	spop (v2sf)  }
0xc2: {  	s30 =	sand.u32 $0x800, s0;
	(v2sf) =	vpush v2, $0x2;
	s31 =	sand.u32 $0x1FFFFFF0, s31  }
0xc3: {  	s0 =	sor.u32 $0x400, s30;
	s31 =	sadd.s32 s3, s31  }
0xc4: {  	[tilespmem:s0], [sflag:$0x1] =	stream.linear.gather [hbm4b:s31+s1], $0x80, $0x38;
	[tilespmem:$0x2880] =	vst v63  }
0xc5: {  	s31 =	spop (v2sf)  }
0xc6: {  	(v2sf) =	vpush v1, $0x2;
	s0 =	sand.u32 $0x1FFFFFF0, s31  }
0xc7: {  	s31 =	sor.u32 $0x1400, s30;
	s0 =	sadd.s32 s4, s0  }
0xc8: {  	[tilespmem:s31], [sflag:$0x2] =	stream.linear.gather [hbm4b:s0+s1], $0x80, $0x38;
	[tilespmem:$0x2880] =	vst v63  }
0xc9: {  	s31 =	spop (v2sf)  }
0xca: {  	(v2sf) =	vpush v2, $0x3;
	s0 =	sand.u32 $0x1FFFFFF0, s31  }
0xcb: {  	s31 =	sor.u32 $0x480, s30;
	s0 =	sadd.s32 s3, s0  }
0xcc: {  	[tilespmem:s31], [sflag:$0x1] =	stream.linear.gather [hbm4b:s0+s1], $0x80, $0x38;
	[tilespmem:$0x2880] =	vst v63  }
0xcd: {  	s31 =	spop (v2sf)  }
0xce: {  	(v2sf) =	vpush v1, $0x3;
	s0 =	sand.u32 $0x1FFFFFF0, s31  }
0xcf: {  	s31 =	sor.u32 $0x1480, s30;
	s0 =	sadd.s32 s4, s0  }
0xd0: {  	[tilespmem:s31], [sflag:$0x2] =	stream.linear.gather [hbm4b:s0+s1], $0x80, $0x38;
	[tilespmem:$0x2880] =	vst v63  }
0xd1: {  	s31 =	spop (v2sf)  }
0xd2: {  	(v2sf) =	vpush v2, $0x4;
	s0 =	sand.u32 $0x1FFFFFF0, s31  }
0xd3: {  	s31 =	sor.u32 $0x500, s30;
	s0 =	sadd.s32 s3, s0  }
0xd4: {  	[tilespmem:s31], [sflag:$0x1] =	stream.linear.gather [hbm4b:s0+s1], $0x80, $0x38;
	[tilespmem:$0x2880] =	vst v63  }
0xd5: {  	s31 =	spop (v2sf)  }
0xd6: {  	(v2sf) =	vpush v1, $0x4;
	s0 =	sand.u32 $0x1FFFFFF0, s31  }
0xd7: {  	s31 =	sor.u32 $0x1500, s30;
	s0 =	sadd.s32 s4, s0  }
0xd8: {  	[tilespmem:s31], [sflag:$0x2] =	stream.linear.gather [hbm4b:s0+s1], $0x80, $0x38;
	[tilespmem:$0x2880] =	vst v63  }
0xd9: {  	s31 =	spop (v2sf)  }
0xda: {  	(v2sf) =	vpush v2, $0x5;
	s0 =	sand.u32 $0x1FFFFFF0, s31  }
0xdb: {  	s31 =	sor.u32 $0x580, s30;
	s0 =	sadd.s32 s3, s0  }
0xdc: {  	[tilespmem:s31], [sflag:$0x1] =	stream.linear.gather [hbm4b:s0+s1], $0x80, $0x38;
	[tilespmem:$0x2880] =	vst v63  }
0xdd: {  	s31 =	spop (v2sf)  }
0xde: {  	(v2sf) =	vpush v1, $0x5;
	s0 =	sand.u32 $0x1FFFFFF0, s31  }
0xdf: {  	s31 =	sor.u32 $0x1580, s30;
	s0 =	sadd.s32 s4, s0  }
0xe0: {  	[tilespmem:s31], [sflag:$0x2] =	stream.linear.gather [hbm4b:s0+s1], $0x80, $0x38;
	[tilespmem:$0x2880] =	vst v63  }
0xe1: {  	s31 =	spop (v2sf)  }
0xe2: {  	(v2sf) =	vpush v2, $0x6;
	s0 =	sand.u32 $0x1FFFFFF0, s31  }
0xe3: {  	s31 =	sor.u32 $0x600, s30;
	s0 =	sadd.s32 s3, s0  }
0xe4: {  	[tilespmem:s31], [sflag:$0x1] =	stream.linear.gather [hbm4b:s0+s1], $0x80, $0x38;
	[tilespmem:$0x2880] =	vst v63  }
0xe5: {  	s31 =	spop (v2sf)  }
0xe6: {  	(v2sf) =	vpush v1, $0x6;
	s0 =	sand.u32 $0x1FFFFFF0, s31  }
0xe7: {  	s31 =	sor.u32 $0x1600, s30;
	s0 =	sadd.s32 s4, s0  }
0xe8: {  	[tilespmem:s31], [sflag:$0x2] =	stream.linear.gather [hbm4b:s0+s1], $0x80, $0x38;
	[tilespmem:$0x2880] =	vst v63  }
0xe9: {  	s31 =	spop (v2sf)  }
0xea: {  	(v2sf) =	vpush v2, $0x7;
	s0 =	sand.u32 $0x1FFFFFF0, s31  }
0xeb: {  	s31 =	sor.u32 $0x680, s30;
	s0 =	sadd.s32 s3, s0  }
0xec: {  	[tilespmem:s31], [sflag:$0x1] =	stream.linear.gather [hbm4b:s0+s1], $0x80, $0x38;
	[tilespmem:$0x2880] =	vst v63  }
0xed: {  	s31 =	spop (v2sf)  }
0xee: {  	(v2sf) =	vpush v1, $0x7;
	s0 =	sand.u32 $0x1FFFFFF0, s31  }
0xef: {  	s31 =	sor.u32 $0x1680, s30;
	s0 =	sadd.s32 s4, s0  }
0xf0: {  	[tilespmem:s31], [sflag:$0x2] =	stream.linear.gather [hbm4b:s0+s1], $0x80, $0x38;
	[tilespmem:$0x2880] =	vst v63  }
0xf1: {  	s31 =	spop (v2sf)  }
0xf2: {  	(v2sf) =	vpush v2, $0x8;
	s0 =	sand.u32 $0x1FFFFFF0, s31  }
0xf3: {  	s31 =	sor.u32 $0x700, s30;
	s0 =	sadd.s32 s3, s0  }
0xf4: {  	[tilespmem:s31], [sflag:$0x1] =	stream.linear.gather [hbm4b:s0+s1], $0x80, $0x38;
	[tilespmem:$0x2880] =	vst v63  }
0xf5: {  	s31 =	spop (v2sf)  }
0xf6: {  	(v2sf) =	vpush v1, $0x8;
	s0 =	sand.u32 $0x1FFFFFF0, s31  }
0xf7: {  	s31 =	sor.u32 $0x1700, s30;
	s0 =	sadd.s32 s4, s0  }
0xf8: {  	[tilespmem:s31], [sflag:$0x2] =	stream.linear.gather [hbm4b:s0+s1], $0x80, $0x38;
	[tilespmem:$0x2880] =	vst v63  }
0xf9: {  	s31 =	spop (v2sf)  }
0xfa: {  	(v2sf) =	vpush v2, $0x9;
	s0 =	sand.u32 $0x1FFFFFF0, s31  }
0xfb: {  	s31 =	sor.u32 $0x780, s30;
	s0 =	sadd.s32 s3, s0  }
0xfc: {  	[tilespmem:s31], [sflag:$0x1] =	stream.linear.gather [hbm4b:s0+s1], $0x80, $0x38;
	[tilespmem:$0x2880] =	vst v63  }
0xfd: {  	s31 =	spop (v2sf)  }
0xfe: {  	(v2sf) =	vpush v1, $0x9;
	s0 =	sand.u32 $0x1FFFFFF0, s31  }
0xff: {  	s31 =	sor.u32 $0x1780, s30;
	s0 =	sadd.s32 s4, s0  }
0x100: {  	[tilespmem:s31], [sflag:$0x2] =	stream.linear.gather [hbm4b:s0+s1], $0x80, $0x38;
	[tilespmem:$0x2880] =	vst v63  }
0x101: {  	s31 =	spop (v2sf)  }
0x102: {  	(v2sf) =	vpush v2, $0xA;
	s0 =	sand.u32 $0x1FFFFFF0, s31  }
0x103: {  	s31 =	sadd.s32 $0x800, s30;
	s0 =	sadd.s32 s3, s0  }
0x104: {  	[tilespmem:s31], [sflag:$0x1] =	stream.linear.gather [hbm4b:s0+s1], $0x80, $0x38;
	[tilespmem:$0x2880] =	vst v63  }
0x105: {  	s31 =	spop (v2sf)  }
0x106: {  	(v2sf) =	vpush v1, $0xA;
	s0 =	sand.u32 $0x1FFFFFF0, s31  }
0x107: {  	s31 =	sadd.s32 $0x1800, s30;
	s0 =	sadd.s32 s4, s0  }
0x108: {  	[tilespmem:s31], [sflag:$0x2] =	stream.linear.gather [hbm4b:s0+s1], $0x80, $0x38;
	[tilespmem:$0x2880] =	vst v63  }
0x109: {  	s31 =	spop (v2sf)  }
0x10a: {  	(v2sf) =	vpush v2, $0xB;
	s0 =	sand.u32 $0x1FFFFFF0, s31  }
0x10b: {  	s31 =	sadd.s32 $0x880, s30;
	s0 =	sadd.s32 s3, s0  }
0x10c: {  	[tilespmem:s31], [sflag:$0x1] =	stream.linear.gather [hbm4b:s0+s1], $0x80, $0x38;
	[tilespmem:$0x2880] =	vst v63  }
0x10d: {  	s31 =	spop (v2sf)  }
0x10e: {  	(v2sf) =	vpush v1, $0xB;
	s0 =	sand.u32 $0x1FFFFFF0, s31  }
0x10f: {  	s31 =	sadd.s32 $0x1880, s30;
	s0 =	sadd.s32 s4, s0  }
0x110: {  	[tilespmem:s31], [sflag:$0x2] =	stream.linear.gather [hbm4b:s0+s1], $0x80, $0x38;
	[tilespmem:$0x2880] =	vst v63  }
0x111: {  	s31 =	spop (v2sf)  }
0x112: {  	(v2sf) =	vpush v2, $0xC;
	s0 =	sand.u32 $0x1FFFFFF0, s31  }
0x113: {  	s31 =	sadd.s32 $0x900, s30;
	s0 =	sadd.s32 s3, s0  }
0x114: {  	[tilespmem:s31], [sflag:$0x1] =	stream.linear.gather [hbm4b:s0+s1], $0x80, $0x38;
	[tilespmem:$0x2880] =	vst v63  }
0x115: {  	s31 =	spop (v2sf)  }
0x116: {  	(v2sf) =	vpush v1, $0xC;
	s0 =	sand.u32 $0x1FFFFFF0, s31  }
0x117: {  	s31 =	sadd.s32 $0x1900, s30;
	s0 =	sadd.s32 s4, s0  }
0x118: {  	[tilespmem:s31], [sflag:$0x2] =	stream.linear.gather [hbm4b:s0+s1], $0x80, $0x38;
	[tilespmem:$0x2880] =	vst v63  }
0x119: {  	s31 =	spop (v2sf)  }
0x11a: {  	(v2sf) =	vpush v2, $0xD;
	s0 =	sand.u32 $0x1FFFFFF0, s31  }
0x11b: {  	s31 =	sadd.s32 $0x980, s30;
	s0 =	sadd.s32 s3, s0  }
0x11c: {  	[tilespmem:s31], [sflag:$0x1] =	stream.linear.gather [hbm4b:s0+s1], $0x80, $0x38;
	[tilespmem:$0x2880] =	vst v63  }
0x11d: {  	s31 =	spop (v2sf)  }
0x11e: {  	(v2sf) =	vpush v1, $0xD;
	s0 =	sand.u32 $0x1FFFFFF0, s31  }
0x11f: {  	s31 =	sadd.s32 $0x1980, s30;
	s0 =	sadd.s32 s4, s0  }
0x120: {  	[tilespmem:s31], [sflag:$0x2] =	stream.linear.gather [hbm4b:s0+s1], $0x80, $0x38;
	[tilespmem:$0x2880] =	vst v63  }
0x121: {  	s31 =	spop (v2sf)  }
0x122: {  	(v2sf) =	vpush v2, $0xE;
	s0 =	sand.u32 $0x1FFFFFF0, s31  }
0x123: {  	s31 =	sadd.s32 $0xA00, s30;
	s0 =	sadd.s32 s3, s0  }
0x124: {  	[tilespmem:s31], [sflag:$0x1] =	stream.linear.gather [hbm4b:s0+s1], $0x80, $0x38;
	[tilespmem:$0x2880] =	vst v63  }
0x125: {  	s31 =	spop (v2sf)  }
0x126: {  	(v2sf) =	vpush v1, $0xE;
	s0 =	sand.u32 $0x1FFFFFF0, s31  }
0x127: {  	s31 =	sadd.s32 $0x1A00, s30;
	s0 =	sadd.s32 s4, s0  }
0x128: {  	[tilespmem:s31], [sflag:$0x2] =	stream.linear.gather [hbm4b:s0+s1], $0x80, $0x38;
	[tilespmem:$0x2880] =	vst v63  }
0x129: {  	s31 =	spop (v2sf)  }
0x12a: {  	(v2sf) =	vpush v2, $0xF;
	s0 =	sand.u32 $0x1FFFFFF0, s31  }
0x12b: {  	s31 =	sadd.s32 $0xA80, s30;
	s0 =	sadd.s32 s3, s0  }
0x12c: {  	[tilespmem:s31], [sflag:$0x1] =	stream.linear.gather [hbm4b:s0+s1], $0x80, $0x38;
	[tilespmem:$0x2880] =	vst v63  }
0x12d: {  	s31 =	spop (v2sf)  }
0x12e: {  	(v2sf) =	vpush v1, $0xF;
	s0 =	sand.u32 $0x1FFFFFF0, s31  }
0x12f: {  	s31 =	sadd.s32 $0x1A80, s30;
	s0 =	sadd.s32 s4, s0  }
0x130: {  	[tilespmem:s31], [sflag:$0x2] =	stream.linear.gather [hbm4b:s0+s1], $0x80, $0x38;
	[tilespmem:$0x2880] =	vst v63  }
0x131: {  	s31 =	spop (v2sf)  }
0x132: {  	s0 =	sand.u32 $0x1FFFFFF0, s31  }
0x133: {  	s31 =	sadd.s32 $0xB00, s30;
	s0 =	sadd.s32 s3, s0  }
0x134: {  	[tilespmem:s31], [sflag:$0x1] =	stream.linear.gather [hbm4b:s0+s1], $0x80, $0x38;
	[tilespmem:$0x2880] =	vst v63  }
0x135: {  	s31 =	spop (v2sf)  }
0x136: {  	s0 =	sand.u32 $0x1FFFFFF0, s31  }
0x137: {  	s31 =	sadd.s32 $0x1B00, s30;
	s0 =	sadd.s32 s4, s0  }
0x138: {  	[tilespmem:s31], [sflag:$0x2] =	stream.linear.gather [hbm4b:s0+s1], $0x80, $0x38;
	[tilespmem:$0x2880] =	vst v63  }
0x139: {  	s31 =	spop (v2sf)  }
0x13a: {  	s0 =	sand.u32 $0x1FFFFFF0, s31  }
0x13b: {  	s31 =	sadd.s32 $0xB80, s30;
	s0 =	sadd.s32 s3, s0  }
0x13c: {  	[tilespmem:s31], [sflag:$0x1] =	stream.linear.gather [hbm4b:s0+s1], $0x80, $0x38;
	[tilespmem:$0x2880] =	vst v63  }
0x13d: {  	s31 =	spop (v2sf)  }
0x13e: {  	s0 =	sand.u32 $0x1FFFFFF0, s31  }
0x13f: {  	s30 =	sadd.s32 $0x1B80, s30;
	s0 =	sadd.s32 s4, s0  }
0x140: {  	[tilespmem:s30], [sflag:$0x2] =	stream.linear.gather [hbm4b:s0+s1], $0x80, $0x38;
	[tilespmem:$0x2880] =	vst v63  }
.LBB2_4:
0x141: {  	s24 =	sshll.u32 s24, $0x4  }
0x142: {  	s0 =	sand.u32 $0x10, s24  }
0x143: {  	v1 =	vmov s0  }
0x144: {  	v1 =	vshll.u32 v1, $0x7  }
0x145: {  	_ =	swait.ge [sflag:s19], $0x800;
	s31 =	simm.s32 $0x0;
	v1 =	vor.u32 v0, v1  }
0x146: {  	[sflag:s19] =	ssyncset.done $0x0;
	v2 =	vadd.s32 s31, v1  }
0x147: {  	[sflag:s19] =	ssyncadd.s32 $0xFFFFF800  }
0x148: {  	v3 =	vmov s31;
	_ =	swait.ge [sflag:s20], $0x800  }
0x149: {  	v4 =	vor.u32 $0x40, v3;
	[sflag:s20] =	ssyncset.done $0x0  }
0x14a: {  	[sflag:s20] =	ssyncadd.s32 $0xFFFFF800  }
0x14b: {  	s31 =	simm.s32 $0x1;
	v5 =	vld.idx.msk [tilespmem:v2+s26+$0x0], $0xffff  }
0x14c: {  	v6 =	vadd.s32 s31, v1;
	v2 =	vld.idx.msk [tilespmem:v2+s28+$0x0], $0xffff;
	_ =	sdelay $0x1  }
0x14d: {  	v7 =	vmov s31;
	v9 =	vld.idx.msk [tilespmem:v4+s25+$0x0], $0xffff  }
0x14e: {  	v8 =	vld.idx.msk [tilespmem:v3+s25+$0x0], $0xffff;
	v10 =	vor.u32 $0x40, v7  }
0x14f: {  	s31 =	simm.s32 $0x2  }
0x150: {  	v3 =	vadd.s32 s31, v1;
	v13 =	vld.idx.msk [tilespmem:v6+s26+$0x0], $0xffff;
	v2 =	vadd.f32 v2, v5  }
0x151: {  	v5 =	vld.idx.msk [tilespmem:v6+s28+$0x0], $0xffff  }
0x152: {  	v4 =	vld.idx.msk [tilespmem:v7+s25+$0x0], $0xffff;
	v7 =	vmov s31;
	v12 =	vsub.f32 v9, v2  }
0x153: {  	v6 =	vld.idx.msk [tilespmem:v10+s25+$0x0], $0xffff;
	v8 =	vsub.f32 v8, v2;
	v9 =	vor.u32 $0x40, v7  }
0x154: {  	v12 =	vmul.f32 v12, v12  }
0x155: {  	s30 =	simm.s32 $0x3;
	v10 =	vld.idx.msk [tilespmem:v3+s26+$0x0], $0xffff;
	v2 =	vimm.f32 $0.0e+00;
	v11 =	vmul.f32 v8, v8;
	v8 =	vimm.f32 $0.0e+00  }
.LBB2_5:
0x156: {  	v13 =	vadd.f32 v5, v13;
	v5 =	vld.idx.msk [tilespmem:v3+s28+$0x0], $0xffff;
	v3 =	vadd.s32 s30, v1;
	v2 =	vadd.f32 v12, v2;
	s0 =	smov.u32 s30;
	p0 =	sne.s32 s30, $0x3F  }
.Ltmp1:
0x157: {  	s30 =	sadd.s32 $0x1, s30;
	v8 =	vadd.f32 v11, v8;
	v11 =	vmov v4;
	v4 =	vld.idx.msk [tilespmem:v7+s25+$0x0], $0xffff;
	(pc) =	sbr.rel @p0 .LBB2_5-.Ltmp1, $4  }
0x158: {  	v7 =	vmov s0;
	v11 =	vsub.f32 v11, v13;
	v12 =	vsub.f32 v6, v13;
	v6 =	vld.idx.msk [tilespmem:v9+s25+$0x0], $0xffff  }
0x159: {  	v9 =	vor.u32 $0x40, v7  }
0x15a: {  	v11 =	vmul.f32 v11, v11;
	v12 =	vmul.f32 v12, v12  }
0x15b: {  	v13 =	vmov v10;
	v10 =	vld.idx.msk [tilespmem:v3+s26+$0x0], $0xffff  }
0x15c: {  	_ =	sdelay $0x3  }
0x15d: {  	v1 =	vld.idx.msk [tilespmem:v3+s28+$0x0], $0xffff;
	_ =	sdelay $0x1  }
0x15e: {  	v3 =	vld.idx.msk [tilespmem:v7+s25+$0x0], $0xffff  }
0x15f: {  	v5 =	vadd.f32 v5, v13;
	v57 =	vld.idx.msk [tilespmem:v9+s25+$0x0], $0xffff;
	_ =	sdelay $0x1  }
0x160: {  	v4 =	vsub.f32 v4, v5;
	v1 =	vadd.f32 v1, v10  }
0x161: {  	v5 =	vsub.f32 v6, v5  }
0x162: {  	v58 =	vadd.f32 v11, v8;
	v4 =	vmul.f32 v4, v4;
	v3 =	vsub.f32 v3, v1  }
0x163: {  	v2 =	vadd.f32 v12, v2;
	v5 =	vmul.f32 v5, v5;
	v1 =	vsub.f32 v57, v1  }
0x164: {  	v4 =	vadd.f32 v4, v58;
	v3 =	vmul.f32 v3, v3  }
0x165: {  	v2 =	vadd.f32 v5, v2;
	v1 =	vmul.f32 v1, v1  }
0x166: {  	v3 =	vadd.f32 v3, v4  }
0x167: {  	v1 =	vadd.f32 v1, v2  }
0x168: {  	v2 =	vshra.s32 v3, $0x1;
	v4 =	vmul.f32 $5.000000000e-01, v3  }
0x169: {  	v59 =	vshra.s32 v1, $0x1;
	v60 =	vmul.f32 $5.000000000e-01, v1;
	v2 =	vsub.s32 $0x5F3759DF, v2  }
0x16a: {  	v5 =	vsub.s32 $0x5F3759DF, v59;
	v61 =	vmul.f32 v2, v4  }
0x16b: {  	v62 =	vmul.f32 v5, v60  }
0x16c: {  	v7 =	vmul.f32 v2, v61  }
0x16d: {  	v8 =	vmul.f32 v5, v62  }
0x16e: {  	v7 =	vsub.f32 $1.500000000e+00, v7  }
0x16f: {  	v8 =	vsub.f32 $1.500000000e+00, v8  }
0x170: {  	v2 =	vmul.f32 v2, v7  }
0x171: {  	v5 =	vmul.f32 v5, v8  }
0x172: {  	v7 =	vmul.f32 v2, v4  }
0x173: {  	v8 =	vmul.f32 v5, v60  }
0x174: {  	v7 =	vmul.f32 v7, v2  }
0x175: {  	v8 =	vmul.f32 v8, v5  }
0x176: {  	v7 =	vsub.f32 $1.500000000e+00, v7  }
0x177: {  	v8 =	vsub.f32 $1.500000000e+00, v8  }
0x178: {  	v2 =	vmul.f32 v7, v2  }
0x179: {  	v5 =	vmul.f32 v8, v5  }
0x17a: {  	v4 =	vmul.f32 v2, v4  }
0x17b: {  	v6 =	vmul.f32 v5, v60  }
0x17c: {  	v4 =	vmul.f32 v4, v2  }
0x17d: {  	v6 =	vmul.f32 v6, v5  }
0x17e: {  	v4 =	vsub.f32 $1.500000000e+00, v4  }
0x17f: {  	v6 =	vsub.f32 $1.500000000e+00, v6  }
0x180: {  	p0 =	sne.s32 s29, $0x20;
	v2 =	vmul.f32 v4, v2  }
.Ltmp2:
0x181: {  	v63 =	vmul.f32 v6, v5;
	(pc) =	sbr.rel @p0 .LBB2_2-.Ltmp2, $4  }
0x182: {  	v2 =	vmul.f32 v2, v3  }
0x183: {  	v1 =	vmul.f32 v63, v1  }
0x184: {  	[tilespmem:s24+$0x2480] =	vst v2  }
0x185: {  	[tilespmem:s24+$0x2680] =	vst v1;
	s24 =	smov.u32 s29  }
0x186: {  	[hbm4b:s14+s1] =	stream.linear.scatter [tilespmem:s21], [sflag:$0x3], $0x200, $0x38;
	[tilespmem:$0x2880] =	vst v63  }
0x187: {  	s23 =	sadd.s32 $0x1, s23;
	_ =	swait.ge [sflag:s17], $0x200  }
0x188: {  	p0 =	sne.s32 s23, s16;
	[sflag:s17] =	ssyncset.done $0x0  }
.Ltmp3:
0x189: {  	[sflag:s17] =	ssyncadd.s32 $0xFFFFFE00;
	(pc) =	sbr.rel @p0 .LBB2_1-.Ltmp3, $4  }
0x18a: {  	[hbm4b:s15+s1] =	stream.linear.scatter [tilespmem:s22], [sflag:$0x3], $0x200, $0x38;
	[tilespmem:$0x2880] =	vst v63  }
0x18b: {  	_ =	swait.ge [sflag:s17], $0x200  }
0x18c: {  	[sflag:s17] =	ssyncset.done $0x0  }
0x18d: {  	[sflag:s17] =	ssyncadd.s32 $0xFFFFFE00  }
0x18e: {  	_ =	sfence.sel $0x180000  }
0x18f: {  	[bflag:$0x0] =	sbarrier.arrive $0xFFFF  }
0x190: {  	_ =	strace $0x90000047  }
0x191: {  	s0 =	stileid.u32;
	[bflag:$0x2] =	sbarrier.arrive $0xFFFF  }
0x192: {  	p0 =	sne.s32 s0, $0x0;
	s0 =	rddreg [dreg:$0x5]  }
0x193: {  	s0 =	sadd.s32 @!p0 $0x100000, s0  }
0x194: {  	[sflag:s0] =	ssyncadd.tile.s32 @!p0 $0x1;
	_ =	shalt  }
.Lfunc_end2:
_tile_overlayer_lowered:
.L_overlay_start_2:
0x195: {  	(tag) =	ssettag $0x2  }
0x196: {  	s0 =	rddreg [dreg:$0x0];
	s2 =	stileid.u32  }
0x197: {  	s1 =	rddreg [dreg:$0x1];
	p0 =	sne.s32 s2, $0x0  }
0x198: {  	s3 =	rddreg [dreg:$0x2];
	[bflag:$0x3] =	sbarrier.arrive $0xFFFF;
	s2 =	simm.s32 @!p0 $0x1C03  }
0x199: {  	[timem:s3], [sflag:s2] =	dma.local @!p0 [hbm:s0], s1  }
0x19a: {  	s0 =	simm.s32 @!p0 $0x3  }
0x19b: {  	_ =	swait.ge @!p0 [sflag:s0], s1  }
0x19c: {  	s1 =	ssub.s32 @!p0 $0x0, s1;
	[sflag:s0] =	ssyncset.done @!p0 $0x0  }
0x19d: {  	[sflag:s0] =	ssyncadd.s32 @!p0 s1  }
0x19e: {  	[bflag:$0x3] =	sbarrier.arrive $0xFFFF  }
0x19f: {  	_ =	shalt  }

</sc_bundles>
